<compile_context>
chip_gen: v7x
topology: tpu7x:2x2x1
jax: 0.10.2.dev20260603
libtpu: 0.0.44.dev20260713+nightly
codegen_flags: <defaults>
</compile_context>

<pallas_src>
import jax
import jax.numpy as jnp
from jax import lax
from jax.experimental import pallas as pl

_B = 1024
_IOU_T = 0.5
_SCORE_T = 0.05
_MAXDET = 100
_C = 256


def _iou_gt(x1a, y1a, x2a, y2a, aa, x1b, y1b, x2b, y2b, ab):
    ltx = jnp.maximum(x1a, x1b)
    lty = jnp.maximum(y1a, y1b)
    rbx = jnp.minimum(x2a, x2b)
    rby = jnp.minimum(y2a, y2b)
    w = jnp.maximum(rbx - ltx, 0.0)
    h = jnp.maximum(rby - lty, 0.0)
    inter = w * h
    union = aa + ab - inter
    iou = inter / jnp.maximum(union, 1e-9)
    return iou > _IOU_T


def _nms_step(rows_ref, cols_ref, cblk_ref, ss_ref, keep_ref):
    np_ = keep_ref.shape[1]
    nb = np_ // _B
    bi = pl.program_id(0)
    f32 = jnp.float32
    bf16 = jnp.bfloat16

    @pl.when(bi == 0)
    def _():
        keep_ref[...] = (ss_ref[...] > _SCORE_T).astype(f32)

    rb = rows_ref[...]
    rx1, ry1, rx2, ry2 = rb[:, 0:1], rb[:, 1:2], rb[:, 2:3], rb[:, 3:4]
    ra = (rx2 - rx1) * (ry2 - ry1)

    bb = cblk_ref[...]
    bx1, by1, bx2, by2 = bb[0:1, :], bb[1:2, :], bb[2:3, :], bb[3:4, :]
    ba = (bx2 - bx1) * (by2 - by1)

    m_sub = _iou_gt(rx1, ry1, rx2, ry2, ra, bx1, by1, bx2, by2, ba)
    ii = lax.broadcasted_iota(jnp.int32, (_B, _B), 0)
    jj = lax.broadcasted_iota(jnp.int32, (_B, _B), 1)
    m_sub = (m_sub & (jj > ii)).astype(bf16)

    k_init = keep_ref[0:1, pl.ds(bi * _B, _B)]

    def cond(c):
        _, changed, t = c
        return jnp.logical_and(changed, t < _B + 2)

    def body(c):
        k, _, t = c
        supp = lax.dot_general(
            k.astype(bf16), m_sub, (((1,), (0,)), ((), ())),
            preferred_element_type=f32)
        k_new = jnp.where(supp > 0.5, 0.0, k_init)
        return k_new, jnp.any(k_new != k), t + 1

    k_fin, _, _ = lax.while_loop(
        cond, body, (k_init, jnp.bool_(True), jnp.int32(0)))
    keep_ref[0:1, pl.ds(bi * _B, _B)] = k_fin

    cnt = jnp.sum(k_fin)
    nrb = _B // 128
    kf2 = k_fin.reshape(nrb, 128).astype(bf16)
    pi = lax.broadcasted_iota(jnp.int32, (128, 128), 0)
    pj = lax.broadcasted_iota(jnp.int32, (128, 128), 1)
    u128 = (pi <= pj).astype(bf16)
    within = lax.dot_general(
        kf2, u128, (((1,), (0,)), ((), ())), preferred_element_type=f32)
    rowtot = within[:, 127:128]
    ti = lax.broadcasted_iota(jnp.int32, (nrb, nrb), 0)
    tj = lax.broadcasted_iota(jnp.int32, (nrb, nrb), 1)
    tlow = (tj < ti).astype(bf16)
    carry = lax.dot_general(
        tlow, rowtot.astype(bf16), (((1,), (0,)), ((), ())),
        preferred_element_type=f32)
    rank_inc = (within + carry).reshape(1, _B)
    rank0 = jnp.where(k_fin > 0.5, rank_inc - 1.0, -1.0)

    rows_f = rows_ref[...]
    cc = lax.broadcasted_iota(jnp.int32, (_C, _B), 0).astype(f32)

    def chunk(c):
        t, _ = c
        oh = (cc == rank0 - t * float(_C)).astype(f32)
        rows_c = lax.dot_general(
            oh, rows_f, (((1,), (0,)), ((), ())),
            preferred_element_type=f32,
            precision=lax.Precision.HIGHEST)
        gx1, gy1 = rows_c[:, 0:1], rows_c[:, 1:2]
        gx2, gy2 = rows_c[:, 2:3], rows_c[:, 3:4]
        ga = (gx2 - gx1) * (gy2 - gy1)
        ones_c = jnp.ones((1, _C), bf16)

        def tail(bj, carry2):
            cb = cols_ref[:, pl.ds(bj * _B, _B)]
            cx1, cy1 = cb[0:1, :], cb[1:2, :]
            cx2, cy2 = cb[2:3, :], cb[3:4, :]
            ca = (cx2 - cx1) * (cy2 - cy1)
            m = _iou_gt(gx1, gy1, gx2, gy2, ga, cx1, cy1, cx2, cy2, ca)
            supp = lax.dot_general(
                ones_c, m.astype(bf16), (((1,), (0,)), ((), ())),
                preferred_element_type=f32)
            kv = keep_ref[0:1, pl.ds(bj * _B, _B)]
            keep_ref[0:1, pl.ds(bj * _B, _B)] = jnp.where(
                supp > 0.5, 0.0, kv)
            return carry2

        lax.fori_loop(bi + 1, nb, tail, 0)
        return t + 1, 0

    lax.while_loop(lambda c: c[0] * _C < cnt, chunk, (jnp.float32(0.0), 0))


def kernel(boxes, scores):
    n = boxes.shape[0]
    np_ = ((n + _B - 1) // _B) * _B
    nb = np_ // _B

    valid = scores > _SCORE_T
    s = jnp.where(valid, scores, -1.0)
    order = jnp.argsort(-s)
    bs = boxes[order]
    ss = s[order]

    bs_pad = jnp.concatenate(
        [bs, jnp.zeros((np_ - n, 4), jnp.float32)], axis=0)
    ss_pad = jnp.concatenate(
        [ss, jnp.full((np_ - n,), -1.0, jnp.float32)], axis=0)
    bs_t = bs_pad.T

    keep_f = pl.pallas_call(
        _nms_step,
        grid=(nb,),
        in_specs=[
            pl.BlockSpec((_B, 4), lambda i: (i, 0)),
            pl.BlockSpec((4, np_), lambda i: (0, 0)),
            pl.BlockSpec((4, _B), lambda i: (0, i)),
            pl.BlockSpec((1, np_), lambda i: (0, 0)),
        ],
        out_specs=pl.BlockSpec((1, np_), lambda i: (0, 0)),
        out_shape=jax.ShapeDtypeStruct((1, np_), jnp.float32),
    )(bs_pad, bs_t, bs_t, ss_pad[None, :])

    keep = keep_f[0, :n] > 0.5
    kept_scores = jnp.where(keep, ss, -1.0)
    topv, topi = lax.top_k(kept_scores, _MAXDET)
    out_boxes = bs[topi]
    return jnp.concatenate([out_boxes, topv[:, None]], axis=1)

# --- scband reference (transcript-rebuilt; emitter-appended) ---
"""Pipeline reference for scband-res5-roiheads-nshefficient-78434692759736 (READ-ONLY COPY).

The authoritative reference and input builder live on the scoring server;
editing this copy changes nothing except your own understanding.
"""

import jax, jax.numpy as jnp
import numpy as np
from jax import lax

N = 5000
IOU_THRESH = 0.5
SCORE_THRESH = 0.05
MAX_DET = 100


def setup_inputs(seed: int = 0) -> dict:
    key = jax.random.key(seed)
    k1, k2 = jax.random.split(key)
    raw = jax.random.uniform(k1, (N, 4), dtype=jnp.float32)
    xy = raw[:, :2] * 1000.0
    wh = raw[:, 2:] * 100.0 + 1.0
    boxes = jnp.concatenate([xy, xy + wh], axis=1)
    scores = jax.random.uniform(k2, (N,), dtype=jnp.float32)
    return {"boxes": boxes, "scores": scores}


def _pairwise_iou(a, b):
    area_a = (a[:, 2] - a[:, 0]) * (a[:, 3] - a[:, 1])
    area_b = (b[:, 2] - b[:, 0]) * (b[:, 3] - b[:, 1])
    lt = jnp.maximum(a[:, None, :2], b[None, :, :2])
    rb = jnp.minimum(a[:, None, 2:], b[None, :, 2:])
    wh = jnp.clip(rb - lt, 0.0, None)
    inter = wh[..., 0] * wh[..., 1]
    union = area_a[:, None] + area_b[None, :] - inter
    return inter / jnp.maximum(union, 1e-9)


def reference(boxes, scores):
    # score thresholding (fast_rcnn_inference style)
    valid = scores > SCORE_THRESH
    s = jnp.where(valid, scores, -1.0)
    # sort by descending score
    order = jnp.argsort(-s)
    bs = boxes[order]
    ss = s[order]
    # pairwise IoU matrix (N x N) -- the O(N^2) compute core of NMS
    iou = _pairwise_iou(bs, bs)
    iou_ng = lax.stop_gradient(iou)
    n = bs.shape[0]
    idx = jnp.arange(n)
    init_keep = lax.stop_gradient(ss) > SCORE_THRESH

    def body(keep, i):
        suppress = (iou_ng[i] > IOU_THRESH) & (idx > i) & keep[i]
        return keep & (~suppress), None

    keep, _ = lax.scan(body, init_keep, jnp.arange(n))
    kept_scores = jnp.where(keep, ss, -1.0)
    topv, topi = lax.top_k(kept_scores, MAX_DET)
    out_boxes = bs[topi]
    out = jnp.concatenate([out_boxes, topv[:, None]], axis=1)
    return out

if __name__ == "__main__":
    import jax
    _d = setup_inputs()
    print(jax.jit(kernel)(*tuple(_d.values())))

</pallas_src>

<mosaic_0001>
module attributes {stable_mosaic.version = 14 : i64} {
  func.func @_nms_step(%arg0: i32, %arg1: memref<1024x4xf32, #tpu.memory_space<vmem>>, %arg2: memref<4x5120xf32, #tpu.memory_space<vmem>>, %arg3: memref<4x1024xf32, #tpu.memory_space<vmem>>, %arg4: memref<1x5120xf32, #tpu.memory_space<vmem>>, %arg5: memref<1x5120xf32, #tpu.memory_space<vmem>>) attributes {dimension_semantics = [#tpu.dimension_semantics<arbitrary>], iteration_bounds = array<i64: 5>, scalar_prefetch = 0 : i64, scratch_operands = 0 : i64, tpu.core_type = #tpu.core_type<tc>, window_params = [{transform_indices = @transform_0, window_bounds = array<i64: 1024, 4>}, {pipeline_mode = #tpu.pipeline_mode<synchronous>, transform_indices = @transform_1, window_bounds = array<i64: 4, 5120>}, {transform_indices = @transform_2, window_bounds = array<i64: 4, 1024>}, {pipeline_mode = #tpu.pipeline_mode<synchronous>, transform_indices = @transform_3, window_bounds = array<i64: 1, 5120>}, {pipeline_mode = #tpu.pipeline_mode<synchronous>, transform_indices = @transform_4, window_bounds = array<i64: 1, 5120>}]} {
    %eq3A = arith.constant 0 : i32
    %eq3A_0 = arith.cmpi eq, %arg0, %eq3A : i32
    %convert_element_type3A = arith.extui %eq3A_0 : i1 to i32
    %cond3A = arith.constant 0 : i32
    %cond3A_1 = arith.cmpi ne, %convert_element_type3A, %cond3A : i32
    scf.if %cond3A_1 {
      %get3A_98 = arith.constant 0 : index
      %get3A_99 = arith.constant 0 : index
      %get3A_100 = vector.load %arg4[%get3A_98, %get3A_99] : memref<1x5120xf32, #tpu.memory_space<vmem>>, vector<1x5120xf32>
      %gt3A_101 = arith.constant 5.000000e-02 : f32
      %gt3A_102 = vector.broadcast %gt3A_101 : f32 to vector<1x5120xf32>
      %gt3A_103 = arith.cmpf ogt, %get3A_100, %gt3A_102 : vector<1x5120xf32>
      %convert_element_type3A_104 = arith.extui %gt3A_103 : vector<1x5120xi1> to vector<1x5120xi32>
      %convert_element_type3A_105 = arith.sitofp %convert_element_type3A_104 : vector<1x5120xi32> to vector<1x5120xf32>
      %swap3A_106 = arith.constant 0 : index
      %swap3A_107 = arith.constant 0 : index
      %swap3A_108 = vector.load %arg5[%swap3A_106, %swap3A_107] : memref<1x5120xf32, #tpu.memory_space<vmem>>, vector<1x5120xf32>
      tpu.vector_store %arg5[%swap3A_106, %swap3A_107], %convert_element_type3A_105 {strides = array<i32>} : memref<1x5120xf32, #tpu.memory_space<vmem>>, vector<1x5120xf32>,
    } else {
    }
    %get3A = arith.constant 0 : index
    %get3A_2 = arith.constant 0 : index
    %get3A_3 = vector.load %arg1[%get3A, %get3A_2] : memref<1024x4xf32, #tpu.memory_space<vmem>>, vector<1024x4xf32>
    %slice3A = vector.extract_strided_slice %get3A_3 {offsets = [0, 0], sizes = [1024, 1], strides = [1, 1]} : vector<1024x4xf32> to vector<1024x1xf32>
    %slice3A_4 = vector.extract_strided_slice %get3A_3 {offsets = [0, 1], sizes = [1024, 1], strides = [1, 1]} : vector<1024x4xf32> to vector<1024x1xf32>
    %slice3A_5 = vector.extract_strided_slice %get3A_3 {offsets = [0, 2], sizes = [1024, 1], strides = [1, 1]} : vector<1024x4xf32> to vector<1024x1xf32>
    %slice3A_6 = vector.extract_strided_slice %get3A_3 {offsets = [0, 3], sizes = [1024, 1], strides = [1, 1]} : vector<1024x4xf32> to vector<1024x1xf32>
    %sub3A = arith.subf %slice3A_5, %slice3A : vector<1024x1xf32>
    %sub3A_7 = arith.subf %slice3A_6, %slice3A_4 : vector<1024x1xf32>
    %mul3A = arith.mulf %sub3A, %sub3A_7 : vector<1024x1xf32>
    %get3A_8 = arith.constant 0 : index
    %get3A_9 = arith.constant 0 : index
    %get3A_10 = vector.load %arg3[%get3A_8, %get3A_9] : memref<4x1024xf32, #tpu.memory_space<vmem>>, vector<4x1024xf32>
    %slice3A_11 = vector.extract_strided_slice %get3A_10 {offsets = [0, 0], sizes = [1, 1024], strides = [1, 1]} : vector<4x1024xf32> to vector<1x1024xf32>
    %slice3A_12 = vector.extract_strided_slice %get3A_10 {offsets = [1, 0], sizes = [1, 1024], strides = [1, 1]} : vector<4x1024xf32> to vector<1x1024xf32>
    %slice3A_13 = vector.extract_strided_slice %get3A_10 {offsets = [2, 0], sizes = [1, 1024], strides = [1, 1]} : vector<4x1024xf32> to vector<1x1024xf32>
    %slice3A_14 = vector.extract_strided_slice %get3A_10 {offsets = [3, 0], sizes = [1, 1024], strides = [1, 1]} : vector<4x1024xf32> to vector<1x1024xf32>
    %sub3A_15 = arith.subf %slice3A_13, %slice3A_11 : vector<1x1024xf32>
    %sub3A_16 = arith.subf %slice3A_14, %slice3A_12 : vector<1x1024xf32>
    %mul3A_17 = arith.mulf %sub3A_15, %sub3A_16 : vector<1x1024xf32>
    %max3A = vector.broadcast %slice3A : vector<1024x1xf32> to vector<1024x1024xf32>
    %max3A_18 = vector.broadcast %slice3A_11 : vector<1x1024xf32> to vector<1024x1024xf32>
    %max3A_19 = arith.maximumf %max3A, %max3A_18 : vector<1024x1024xf32>
    %max3A_20 = vector.broadcast %slice3A_4 : vector<1024x1xf32> to vector<1024x1024xf32>
    %max3A_21 = vector.broadcast %slice3A_12 : vector<1x1024xf32> to vector<1024x1024xf32>
    %max3A_22 = arith.maximumf %max3A_20, %max3A_21 : vector<1024x1024xf32>
    %min3A = vector.broadcast %slice3A_5 : vector<1024x1xf32> to vector<1024x1024xf32>
    %min3A_23 = vector.broadcast %slice3A_13 : vector<1x1024xf32> to vector<1024x1024xf32>
    %min3A_24 = arith.minimumf %min3A, %min3A_23 : vector<1024x1024xf32>
    %min3A_25 = vector.broadcast %slice3A_6 : vector<1024x1xf32> to vector<1024x1024xf32>
    %min3A_26 = vector.broadcast %slice3A_14 : vector<1x1024xf32> to vector<1024x1024xf32>
    %min3A_27 = arith.minimumf %min3A_25, %min3A_26 : vector<1024x1024xf32>
    %sub3A_28 = arith.subf %min3A_24, %max3A_19 : vector<1024x1024xf32>
    %max3A_29 = arith.constant 0.000000e+00 : f32
    %max3A_30 = vector.broadcast %max3A_29 : f32 to vector<1024x1024xf32>
    %max3A_31 = arith.maximumf %sub3A_28, %max3A_30 : vector<1024x1024xf32>
    %sub3A_32 = arith.subf %min3A_27, %max3A_22 : vector<1024x1024xf32>
    %max3A_33 = arith.constant 0.000000e+00 : f32
    %max3A_34 = vector.broadcast %max3A_33 : f32 to vector<1024x1024xf32>
    %max3A_35 = arith.maximumf %sub3A_32, %max3A_34 : vector<1024x1024xf32>
    %mul3A_36 = arith.mulf %max3A_31, %max3A_35 : vector<1024x1024xf32>
    %add3A = vector.broadcast %mul3A : vector<1024x1xf32> to vector<1024x1024xf32>
    %add3A_37 = vector.broadcast %mul3A_17 : vector<1x1024xf32> to vector<1024x1024xf32>
    %add3A_38 = arith.addf %add3A, %add3A_37 : vector<1024x1024xf32>
    %sub3A_39 = arith.subf %add3A_38, %mul3A_36 : vector<1024x1024xf32>
    %max3A_40 = arith.constant 9.99999971E-10 : f32
    %max3A_41 = vector.broadcast %max3A_40 : f32 to vector<1024x1024xf32>
    %max3A_42 = arith.maximumf %sub3A_39, %max3A_41 : vector<1024x1024xf32>
    %div3A = arith.divf %mul3A_36, %max3A_42 : vector<1024x1024xf32>
    %gt3A = arith.constant 5.000000e-01 : f32
    %gt3A_43 = vector.broadcast %gt3A : f32 to vector<1024x1024xf32>
    %gt3A_44 = arith.cmpf ogt, %div3A, %gt3A_43 : vector<1024x1024xf32>
    %iota3A = tpu.iota {dimensions = array<i32: 0>} : vector<1024x1024xi32>
    %iota3A_45 = tpu.iota {dimensions = array<i32: 1>} : vector<1024x1024xi32>
    %gt3A_46 = arith.cmpi sgt, %iota3A_45, %iota3A : vector<1024x1024xi32>
    %and3A = arith.andi %gt3A_44, %gt3A_46 : vector<1024x1024xi1>
    %convert_element_type3A_47 = arith.extui %and3A : vector<1024x1024xi1> to vector<1024x1024xi32>
    %convert_element_type3A_48 = arith.sitofp %convert_element_type3A_47 : vector<1024x1024xi32> to vector<1024x1024xf32>
    %convert_element_type3A_49 = arith.truncf %convert_element_type3A_48 : vector<1024x1024xf32> to vector<1024x1024xbf16>
    %mul3A_50 = arith.constant 1024 : i32
    %mul3A_51 = arith.muli %arg0, %mul3A_50 : i32
    %get3A_52 = arith.constant 0 : index
    %get3A_53 = arith.index_cast %mul3A_51 : i32 to index
    %get3A_54 = vector.load %arg5[%get3A_52, %get3A_53] : memref<1x5120xf32, #tpu.memory_space<vmem>>, vector<1x1024xf32>
    %while3A = arith.constant true
    %while3A_55 = arith.constant 0 : i32
    %while3A_56:3 = scf.while (%while3A_98 = %get3A_54, %while3A_99 = %while3A, %while3A_100 = %while3A_55) : (vector<1x1024xf32>, i1, i32) -> (vector<1x1024xf32>, i1, i32) {
      %lt3A_101 = arith.constant 1026 : i32
      %lt3A_102 = arith.cmpi slt, %while3A_100, %lt3A_101 : i32
      %and3A_103 = arith.andi %while3A_99, %lt3A_102 : i1
      scf.condition(%and3A_103) %while3A_98, %while3A_99, %while3A_100 : vector<1x1024xf32>, i1, i32
    } do {
    ^bb0(%while3A_98: vector<1x1024xf32>, %while3A_99: i1, %while3A_100: i32):
      %convert_element_type3A_101 = arith.truncf %while3A_98 : vector<1x1024xf32> to vector<1x1024xbf16>
      %dot_general3A_102 = arith.constant dense<0.000000e+00> : vector<1x1024xf32>
      %dot_general3A_103 = tpu.matmul %convert_element_type3A_101, %convert_element_type3A_49, %dot_general3A_102 {dimension_numbers = #tpu.dot_dimension_numbers<[1], [0], [0], [1], [0, 0, 1, 1], [], []>, transpose_lhs_hint = false} : vector<1x1024xbf16>, vector<1024x1024xbf16>, vector<1x1024xf32> -> vector<1x1024xf32>
      %gt3A_104 = arith.constant 5.000000e-01 : f32
      %gt3A_105 = vector.broadcast %gt3A_104 : f32 to vector<1x1024xf32>
      %gt3A_106 = arith.cmpf ogt, %dot_general3A_103, %gt3A_105 : vector<1x1024xf32>
      %jit3A_107 = arith.constant 0.000000e+00 : f32
      %broadcast_in_dim3A_108 = vector.broadcast %jit3A_107 : f32 to vector<1x1024xf32>
      %select_n3A_109 = arith.select %gt3A_106, %broadcast_in_dim3A_108, %get3A_54 : vector<1x1024xi1>, vector<1x1024xf32>
      %ne3A = arith.cmpf one, %select_n3A_109, %while3A_98 : vector<1x1024xf32>
      %reduce_or3A = arith.constant 1.000000e+00 : f32
      %reduce_or3A_110 = arith.constant 0.000000e+00 : f32
      %reduce_or3A_111 = vector.broadcast %reduce_or3A : f32 to vector<1x1024xf32>
      %reduce_or3A_112 = vector.broadcast %reduce_or3A_110 : f32 to vector<1x1024xf32>
      %reduce_or3A_113 = arith.select %ne3A, %reduce_or3A_111, %reduce_or3A_112 : vector<1x1024xi1>, vector<1x1024xf32>
      %reduce_or3A_114 = vector.shape_cast %reduce_or3A_113 : vector<1x1024xf32> to vector<1x1x1024xf32>
      %reduce_or3A_115 = arith.constant dense<0xFF800000> : vector<1xf32>
      %reduce_or3A_116 = vector.multi_reduction <maximumf>, %reduce_or3A_114, %reduce_or3A_115 [1, 2] : vector<1x1x1024xf32> to vector<1xf32>
      %reduce_or3A_117 = vector.shape_cast %reduce_or3A_116 : vector<1xf32> to vector<1x1x1xf32>
      %reduce_or3A_118 = vector.extract %reduce_or3A_117[0, 0, 0] : f32 from vector<1x1x1xf32>
      %reduce_or3A_119 = arith.constant 0.000000e+00 : f32
      %reduce_or3A_120 = arith.cmpf ogt, %reduce_or3A_118, %reduce_or3A_119 : f32
      %add3A_121 = arith.constant 1 : i32
      %add3A_122 = arith.addi %while3A_100, %add3A_121 : i32
      scf.yield %select_n3A_109, %reduce_or3A_120, %add3A_122 : vector<1x1024xf32>, i1, i32
    }
    %mul3A_57 = arith.constant 1024 : i32
    %mul3A_58 = arith.muli %arg0, %mul3A_57 : i32
    %swap3A = arith.constant 0 : index
    %swap3A_59 = arith.index_cast %mul3A_58 : i32 to index
    %swap3A_60 = vector.load %arg5[%swap3A, %swap3A_59] : memref<1x5120xf32, #tpu.memory_space<vmem>>, vector<1x1024xf32>
    tpu.vector_store %arg5[%swap3A, %swap3A_59], %while3A_56#0 {strides = array<i32>} : memref<1x5120xf32, #tpu.memory_space<vmem>>, vector<1x1024xf32>,
    %reduce_sum3A = vector.shape_cast %while3A_56#0 : vector<1x1024xf32> to vector<1x1x1024xf32>
    %reduce_sum3A_61 = arith.constant dense<0.000000e+00> : vector<1xf32>
    %reduce_sum3A_62 = vector.multi_reduction <add>, %reduce_sum3A, %reduce_sum3A_61 [1, 2] : vector<1x1x1024xf32> to vector<1xf32>
    %reduce_sum3A_63 = vector.shape_cast %reduce_sum3A_62 : vector<1xf32> to vector<1x1x1xf32>
    %reduce_sum3A_64 = vector.extract %reduce_sum3A_63[0, 0, 0] : f32 from vector<1x1x1xf32>
    %reshape3A = vector.shape_cast %while3A_56#0 : vector<1x1024xf32> to vector<8x128xf32>
    %convert_element_type3A_65 = arith.truncf %reshape3A : vector<8x128xf32> to vector<8x128xbf16>
    %iota3A_66 = tpu.iota {dimensions = array<i32: 0>} : vector<128x128xi32>
    %iota3A_67 = tpu.iota {dimensions = array<i32: 1>} : vector<128x128xi32>
    %le3A = arith.cmpi sle, %iota3A_66, %iota3A_67 : vector<128x128xi32>
    %convert_element_type3A_68 = arith.extui %le3A : vector<128x128xi1> to vector<128x128xi32>
    %convert_element_type3A_69 = arith.sitofp %convert_element_type3A_68 : vector<128x128xi32> to vector<128x128xf32>
    %convert_element_type3A_70 = arith.truncf %convert_element_type3A_69 : vector<128x128xf32> to vector<128x128xbf16>
    %dot_general3A = arith.constant dense<0.000000e+00> : vector<8x128xf32>
    %dot_general3A_71 = tpu.matmul %convert_element_type3A_65, %convert_element_type3A_70, %dot_general3A {dimension_numbers = #tpu.dot_dimension_numbers<[1], [0], [0], [1], [0, 0, 1, 1], [], []>, transpose_lhs_hint = false} : vector<8x128xbf16>, vector<128x128xbf16>, vector<8x128xf32> -> vector<8x128xf32>
    %slice3A_72 = vector.extract_strided_slice %dot_general3A_71 {offsets = [0, 127], sizes = [8, 1], strides = [1, 1]} : vector<8x128xf32> to vector<8x1xf32>
    %iota3A_73 = tpu.iota {dimensions = array<i32: 0>} : vector<8x8xi32>
    %iota3A_74 = tpu.iota {dimensions = array<i32: 1>} : vector<8x8xi32>
    %lt3A = arith.cmpi slt, %iota3A_74, %iota3A_73 : vector<8x8xi32>
    %convert_element_type3A_75 = arith.extui %lt3A : vector<8x8xi1> to vector<8x8xi32>
    %convert_element_type3A_76 = arith.sitofp %convert_element_type3A_75 : vector<8x8xi32> to vector<8x8xf32>
    %convert_element_type3A_77 = arith.truncf %convert_element_type3A_76 : vector<8x8xf32> to vector<8x8xbf16>
    %convert_element_type3A_78 = arith.truncf %slice3A_72 : vector<8x1xf32> to vector<8x1xbf16>
    %dot_general3A_79 = arith.constant dense<0.000000e+00> : vector<8x1xf32>
    %dot_general3A_80 = tpu.matmul %convert_element_type3A_77, %convert_element_type3A_78, %dot_general3A_79 {dimension_numbers = #tpu.dot_dimension_numbers<[1], [0], [0], [1], [0, 0, 1, 1], [], []>, transpose_lhs_hint = false} : vector<8x8xbf16>, vector<8x1xbf16>, vector<8x1xf32> -> vector<8x1xf32>
    %add3A_81 = vector.broadcast %dot_general3A_80 : vector<8x1xf32> to vector<8x128xf32>
    %add3A_82 = arith.addf %dot_general3A_71, %add3A_81 : vector<8x128xf32>
    %reshape3A_83 = vector.shape_cast %add3A_82 : vector<8x128xf32> to vector<1x1024xf32>
    %gt3A_84 = arith.constant 5.000000e-01 : f32
    %gt3A_85 = vector.broadcast %gt3A_84 : f32 to vector<1x1024xf32>
    %gt3A_86 = arith.cmpf ogt, %while3A_56#0, %gt3A_85 : vector<1x1024xf32>
    %sub3A_87 = arith.constant 1.000000e+00 : f32
    %sub3A_88 = vector.broadcast %sub3A_87 : f32 to vector<1x1024xf32>
    %sub3A_89 = arith.subf %reshape3A_83, %sub3A_88 : vector<1x1024xf32>
    %jit3A = arith.constant -1.000000e+00 : f32
    %broadcast_in_dim3A = vector.broadcast %jit3A : f32 to vector<1x1024xf32>
    %select_n3A = arith.select %gt3A_86, %sub3A_89, %broadcast_in_dim3A : vector<1x1024xi1>, vector<1x1024xf32>
    %get3A_90 = arith.constant 0 : index
    %get3A_91 = arith.constant 0 : index
    %get3A_92 = vector.load %arg1[%get3A_90, %get3A_91] : memref<1024x4xf32, #tpu.memory_space<vmem>>, vector<1024x4xf32>
    %iota3A_93 = tpu.iota {dimensions = array<i32: 0>} : vector<256x1024xi32>
    %convert_element_type3A_94 = arith.sitofp %iota3A_93 : vector<256x1024xi32> to vector<256x1024xf32>
    %while3A_95 = arith.constant 0.000000e+00 : f32
    %while3A_96 = arith.constant 0 : i32
    %while3A_97:2 = scf.while (%while3A_98 = %while3A_95, %while3A_99 = %while3A_96) : (f32, i32) -> (f32, i32) {
      %mul3A_100 = arith.constant 2.560000e+02 : f32
      %mul3A_101 = arith.mulf %while3A_98, %mul3A_100 : f32
      %lt3A_102 = arith.cmpf olt, %mul3A_101, %reduce_sum3A_64 : f32
      scf.condition(%lt3A_102) %while3A_98, %while3A_99 : f32, i32
    } do {
    ^bb0(%while3A_98: f32, %while3A_99: i32):
      %mul3A_100 = arith.constant 2.560000e+02 : f32
      %mul3A_101 = arith.mulf %while3A_98, %mul3A_100 : f32
      %sub3A_102 = vector.broadcast %mul3A_101 : f32 to vector<1x1024xf32>
      %sub3A_103 = arith.subf %select_n3A, %sub3A_102 : vector<1x1024xf32>
      %eq3A_104 = vector.broadcast %sub3A_103 : vector<1x1024xf32> to vector<256x1024xf32>
      %eq3A_105 = arith.cmpf oeq, %convert_element_type3A_94, %eq3A_104 : vector<256x1024xf32>
      %convert_element_type3A_106 = arith.extui %eq3A_105 : vector<256x1024xi1> to vector<256x1024xi32>
      %convert_element_type3A_107 = arith.sitofp %convert_element_type3A_106 : vector<256x1024xi32> to vector<256x1024xf32>
      %dot_general3A_108 = arith.constant dense<0.000000e+00> : vector<256x4xf32>
      %dot_general3A_109 = tpu.matmul %convert_element_type3A_107, %get3A_92, %dot_general3A_108 {dimension_numbers = #tpu.dot_dimension_numbers<[1], [0], [0], [1], [0, 0, 1, 1], [], []>, precision = #tpu.contract_precision<fp32>, transpose_lhs_hint = false} : vector<256x1024xf32>, vector<1024x4xf32>, vector<256x4xf32> -> vector<256x4xf32>
      %slice3A_110 = vector.extract_strided_slice %dot_general3A_109 {offsets = [0, 0], sizes = [256, 1], strides = [1, 1]} : vector<256x4xf32> to vector<256x1xf32>
      %slice3A_111 = vector.extract_strided_slice %dot_general3A_109 {offsets = [0, 1], sizes = [256, 1], strides = [1, 1]} : vector<256x4xf32> to vector<256x1xf32>
      %slice3A_112 = vector.extract_strided_slice %dot_general3A_109 {offsets = [0, 2], sizes = [256, 1], strides = [1, 1]} : vector<256x4xf32> to vector<256x1xf32>
      %slice3A_113 = vector.extract_strided_slice %dot_general3A_109 {offsets = [0, 3], sizes = [256, 1], strides = [1, 1]} : vector<256x4xf32> to vector<256x1xf32>
      %sub3A_114 = arith.subf %slice3A_112, %slice3A_110 : vector<256x1xf32>
      %sub3A_115 = arith.subf %slice3A_113, %slice3A_111 : vector<256x1xf32>
      %mul3A_116 = arith.mulf %sub3A_114, %sub3A_115 : vector<256x1xf32>
      %broadcast_in_dim3A_117 = arith.constant 1.000000e+00 : bf16
      %broadcast_in_dim3A_118 = vector.broadcast %broadcast_in_dim3A_117 : bf16 to vector<1x256xbf16>
      %add3A_119 = arith.constant 1 : i32
      %add3A_120 = arith.addi %arg0, %add3A_119 : i32
      %while3A_121 = arith.constant 0 : i32
      %while3A_122 = arith.constant 5 : i32
      %while3A_123 = arith.subi %while3A_122, %add3A_120 : i32
      %while3A_124 = arith.addi %add3A_120, %while3A_123 : i32
      %while3A_125 = arith.constant 1 : i32
      %while3A_126 = arith.divsi %while3A_123, %while3A_125 : i32
      %while3A_127 = arith.muli %while3A_126, %while3A_125 : i32
      %while3A_128 = arith.addi %add3A_120, %while3A_127 : i32
      %while3A_129 = arith.constant 1 : i32
      scf.for %while3A_134 = %add3A_120 to %while3A_128 step %while3A_129  : i32 {
        %mul3A_135 = arith.constant 1024 : i32
        %mul3A_136 = arith.muli %while3A_134, %mul3A_135 : i32
        %get3A_137 = arith.constant 0 : index
        %get3A_138 = arith.index_cast %mul3A_136 : i32 to index
        %get3A_139 = vector.load %arg2[%get3A_137, %get3A_138] : memref<4x5120xf32, #tpu.memory_space<vmem>>, vector<4x1024xf32>
        %slice3A_140 = vector.extract_strided_slice %get3A_139 {offsets = [0, 0], sizes = [1, 1024], strides = [1, 1]} : vector<4x1024xf32> to vector<1x1024xf32>
        %slice3A_141 = vector.extract_strided_slice %get3A_139 {offsets = [1, 0], sizes = [1, 1024], strides = [1, 1]} : vector<4x1024xf32> to vector<1x1024xf32>
        %slice3A_142 = vector.extract_strided_slice %get3A_139 {offsets = [2, 0], sizes = [1, 1024], strides = [1, 1]} : vector<4x1024xf32> to vector<1x1024xf32>
        %slice3A_143 = vector.extract_strided_slice %get3A_139 {offsets = [3, 0], sizes = [1, 1024], strides = [1, 1]} : vector<4x1024xf32> to vector<1x1024xf32>
        %sub3A_144 = arith.subf %slice3A_142, %slice3A_140 : vector<1x1024xf32>
        %sub3A_145 = arith.subf %slice3A_143, %slice3A_141 : vector<1x1024xf32>
        %mul3A_146 = arith.mulf %sub3A_144, %sub3A_145 : vector<1x1024xf32>
        %max3A_147 = vector.broadcast %slice3A_110 : vector<256x1xf32> to vector<256x1024xf32>
        %max3A_148 = vector.broadcast %slice3A_140 : vector<1x1024xf32> to vector<256x1024xf32>
        %max3A_149 = arith.maximumf %max3A_147, %max3A_148 : vector<256x1024xf32>
        %max3A_150 = vector.broadcast %slice3A_111 : vector<256x1xf32> to vector<256x1024xf32>
        %max3A_151 = vector.broadcast %slice3A_141 : vector<1x1024xf32> to vector<256x1024xf32>
        %max3A_152 = arith.maximumf %max3A_150, %max3A_151 : vector<256x1024xf32>
        %min3A_153 = vector.broadcast %slice3A_112 : vector<256x1xf32> to vector<256x1024xf32>
        %min3A_154 = vector.broadcast %slice3A_142 : vector<1x1024xf32> to vector<256x1024xf32>
        %min3A_155 = arith.minimumf %min3A_153, %min3A_154 : vector<256x1024xf32>
        %min3A_156 = vector.broadcast %slice3A_113 : vector<256x1xf32> to vector<256x1024xf32>
        %min3A_157 = vector.broadcast %slice3A_143 : vector<1x1024xf32> to vector<256x1024xf32>
        %min3A_158 = arith.minimumf %min3A_156, %min3A_157 : vector<256x1024xf32>
        %sub3A_159 = arith.subf %min3A_155, %max3A_149 : vector<256x1024xf32>
        %max3A_160 = arith.constant 0.000000e+00 : f32
        %max3A_161 = vector.broadcast %max3A_160 : f32 to vector<256x1024xf32>
        %max3A_162 = arith.maximumf %sub3A_159, %max3A_161 : vector<256x1024xf32>
        %sub3A_163 = arith.subf %min3A_158, %max3A_152 : vector<256x1024xf32>
        %max3A_164 = arith.constant 0.000000e+00 : f32
        %max3A_165 = vector.broadcast %max3A_164 : f32 to vector<256x1024xf32>
        %max3A_166 = arith.maximumf %sub3A_163, %max3A_165 : vector<256x1024xf32>
        %mul3A_167 = arith.mulf %max3A_162, %max3A_166 : vector<256x1024xf32>
        %add3A_168 = vector.broadcast %mul3A_116 : vector<256x1xf32> to vector<256x1024xf32>
        %add3A_169 = vector.broadcast %mul3A_146 : vector<1x1024xf32> to vector<256x1024xf32>
        %add3A_170 = arith.addf %add3A_168, %add3A_169 : vector<256x1024xf32>
        %sub3A_171 = arith.subf %add3A_170, %mul3A_167 : vector<256x1024xf32>
        %max3A_172 = arith.constant 9.99999971E-10 : f32
        %max3A_173 = vector.broadcast %max3A_172 : f32 to vector<256x1024xf32>
        %max3A_174 = arith.maximumf %sub3A_171, %max3A_173 : vector<256x1024xf32>
        %div3A_175 = arith.divf %mul3A_167, %max3A_174 : vector<256x1024xf32>
        %gt3A_176 = arith.constant 5.000000e-01 : f32
        %gt3A_177 = vector.broadcast %gt3A_176 : f32 to vector<256x1024xf32>
        %gt3A_178 = arith.cmpf ogt, %div3A_175, %gt3A_177 : vector<256x1024xf32>
        %convert_element_type3A_179 = arith.extui %gt3A_178 : vector<256x1024xi1> to vector<256x1024xi32>
        %convert_element_type3A_180 = arith.sitofp %convert_element_type3A_179 : vector<256x1024xi32> to vector<256x1024xf32>
        %convert_element_type3A_181 = arith.truncf %convert_element_type3A_180 : vector<256x1024xf32> to vector<256x1024xbf16>
        %dot_general3A_182 = arith.constant dense<0.000000e+00> : vector<1x1024xf32>
        %dot_general3A_183 = tpu.matmul %broadcast_in_dim3A_118, %convert_element_type3A_181, %dot_general3A_182 {dimension_numbers = #tpu.dot_dimension_numbers<[1], [0], [0], [1], [0, 0, 1, 1], [], []>, transpose_lhs_hint = false} : vector<1x256xbf16>, vector<256x1024xbf16>, vector<1x1024xf32> -> vector<1x1024xf32>
        %mul3A_184 = arith.constant 1024 : i32
        %mul3A_185 = arith.muli %while3A_134, %mul3A_184 : i32
        %get3A_186 = arith.constant 0 : index
        %get3A_187 = arith.index_cast %mul3A_185 : i32 to index
        %get3A_188 = vector.load %arg5[%get3A_186, %get3A_187] : memref<1x5120xf32, #tpu.memory_space<vmem>>, vector<1x1024xf32>
        %gt3A_189 = arith.constant 5.000000e-01 : f32
        %gt3A_190 = vector.broadcast %gt3A_189 : f32 to vector<1x1024xf32>
        %gt3A_191 = arith.cmpf ogt, %dot_general3A_183, %gt3A_190 : vector<1x1024xf32>
        %jit3A_192 = arith.constant 0.000000e+00 : f32
        %broadcast_in_dim3A_193 = vector.broadcast %jit3A_192 : f32 to vector<1x1024xf32>
        %select_n3A_194 = arith.select %gt3A_191, %broadcast_in_dim3A_193, %get3A_188 : vector<1x1024xi1>, vector<1x1024xf32>
        %mul3A_195 = arith.constant 1024 : i32
        %mul3A_196 = arith.muli %while3A_134, %mul3A_195 : i32
        %swap3A_197 = arith.constant 0 : index
        %swap3A_198 = arith.index_cast %mul3A_196 : i32 to index
        %swap3A_199 = vector.load %arg5[%swap3A_197, %swap3A_198] : memref<1x5120xf32, #tpu.memory_space<vmem>>, vector<1x1024xf32>
        tpu.vector_store %arg5[%swap3A_197, %swap3A_198], %select_n3A_194 {strides = array<i32>} : memref<1x5120xf32, #tpu.memory_space<vmem>>, vector<1x1024xf32>,
      }
      %while3A_130 = arith.constant 1 : i32
      scf.for %while3A_134 = %while3A_128 to %while3A_124 step %while3A_130  : i32 {
        %mul3A_135 = arith.constant 1024 : i32
        %mul3A_136 = arith.muli %while3A_134, %mul3A_135 : i32
        %get3A_137 = arith.constant 0 : index
        %get3A_138 = arith.index_cast %mul3A_136 : i32 to index
        %get3A_139 = vector.load %arg2[%get3A_137, %get3A_138] : memref<4x5120xf32, #tpu.memory_space<vmem>>, vector<4x1024xf32>
        %slice3A_140 = vector.extract_strided_slice %get3A_139 {offsets = [0, 0], sizes = [1, 1024], strides = [1, 1]} : vector<4x1024xf32> to vector<1x1024xf32>
        %slice3A_141 = vector.extract_strided_slice %get3A_139 {offsets = [1, 0], sizes = [1, 1024], strides = [1, 1]} : vector<4x1024xf32> to vector<1x1024xf32>
        %slice3A_142 = vector.extract_strided_slice %get3A_139 {offsets = [2, 0], sizes = [1, 1024], strides = [1, 1]} : vector<4x1024xf32> to vector<1x1024xf32>
        %slice3A_143 = vector.extract_strided_slice %get3A_139 {offsets = [3, 0], sizes = [1, 1024], strides = [1, 1]} : vector<4x1024xf32> to vector<1x1024xf32>
        %sub3A_144 = arith.subf %slice3A_142, %slice3A_140 : vector<1x1024xf32>
        %sub3A_145 = arith.subf %slice3A_143, %slice3A_141 : vector<1x1024xf32>
        %mul3A_146 = arith.mulf %sub3A_144, %sub3A_145 : vector<1x1024xf32>
        %max3A_147 = vector.broadcast %slice3A_110 : vector<256x1xf32> to vector<256x1024xf32>
        %max3A_148 = vector.broadcast %slice3A_140 : vector<1x1024xf32> to vector<256x1024xf32>
        %max3A_149 = arith.maximumf %max3A_147, %max3A_148 : vector<256x1024xf32>
        %max3A_150 = vector.broadcast %slice3A_111 : vector<256x1xf32> to vector<256x1024xf32>
        %max3A_151 = vector.broadcast %slice3A_141 : vector<1x1024xf32> to vector<256x1024xf32>
        %max3A_152 = arith.maximumf %max3A_150, %max3A_151 : vector<256x1024xf32>
        %min3A_153 = vector.broadcast %slice3A_112 : vector<256x1xf32> to vector<256x1024xf32>
        %min3A_154 = vector.broadcast %slice3A_142 : vector<1x1024xf32> to vector<256x1024xf32>
        %min3A_155 = arith.minimumf %min3A_153, %min3A_154 : vector<256x1024xf32>
        %min3A_156 = vector.broadcast %slice3A_113 : vector<256x1xf32> to vector<256x1024xf32>
        %min3A_157 = vector.broadcast %slice3A_143 : vector<1x1024xf32> to vector<256x1024xf32>
        %min3A_158 = arith.minimumf %min3A_156, %min3A_157 : vector<256x1024xf32>
        %sub3A_159 = arith.subf %min3A_155, %max3A_149 : vector<256x1024xf32>
        %max3A_160 = arith.constant 0.000000e+00 : f32
        %max3A_161 = vector.broadcast %max3A_160 : f32 to vector<256x1024xf32>
        %max3A_162 = arith.maximumf %sub3A_159, %max3A_161 : vector<256x1024xf32>
        %sub3A_163 = arith.subf %min3A_158, %max3A_152 : vector<256x1024xf32>
        %max3A_164 = arith.constant 0.000000e+00 : f32
        %max3A_165 = vector.broadcast %max3A_164 : f32 to vector<256x1024xf32>
        %max3A_166 = arith.maximumf %sub3A_163, %max3A_165 : vector<256x1024xf32>
        %mul3A_167 = arith.mulf %max3A_162, %max3A_166 : vector<256x1024xf32>
        %add3A_168 = vector.broadcast %mul3A_116 : vector<256x1xf32> to vector<256x1024xf32>
        %add3A_169 = vector.broadcast %mul3A_146 : vector<1x1024xf32> to vector<256x1024xf32>
        %add3A_170 = arith.addf %add3A_168, %add3A_169 : vector<256x1024xf32>
        %sub3A_171 = arith.subf %add3A_170, %mul3A_167 : vector<256x1024xf32>
        %max3A_172 = arith.constant 9.99999971E-10 : f32
        %max3A_173 = vector.broadcast %max3A_172 : f32 to vector<256x1024xf32>
        %max3A_174 = arith.maximumf %sub3A_171, %max3A_173 : vector<256x1024xf32>
        %div3A_175 = arith.divf %mul3A_167, %max3A_174 : vector<256x1024xf32>
        %gt3A_176 = arith.constant 5.000000e-01 : f32
        %gt3A_177 = vector.broadcast %gt3A_176 : f32 to vector<256x1024xf32>
        %gt3A_178 = arith.cmpf ogt, %div3A_175, %gt3A_177 : vector<256x1024xf32>
        %convert_element_type3A_179 = arith.extui %gt3A_178 : vector<256x1024xi1> to vector<256x1024xi32>
        %convert_element_type3A_180 = arith.sitofp %convert_element_type3A_179 : vector<256x1024xi32> to vector<256x1024xf32>
        %convert_element_type3A_181 = arith.truncf %convert_element_type3A_180 : vector<256x1024xf32> to vector<256x1024xbf16>
        %dot_general3A_182 = arith.constant dense<0.000000e+00> : vector<1x1024xf32>
        %dot_general3A_183 = tpu.matmul %broadcast_in_dim3A_118, %convert_element_type3A_181, %dot_general3A_182 {dimension_numbers = #tpu.dot_dimension_numbers<[1], [0], [0], [1], [0, 0, 1, 1], [], []>, transpose_lhs_hint = false} : vector<1x256xbf16>, vector<256x1024xbf16>, vector<1x1024xf32> -> vector<1x1024xf32>
        %mul3A_184 = arith.constant 1024 : i32
        %mul3A_185 = arith.muli %while3A_134, %mul3A_184 : i32
        %get3A_186 = arith.constant 0 : index
        %get3A_187 = arith.index_cast %mul3A_185 : i32 to index
        %get3A_188 = vector.load %arg5[%get3A_186, %get3A_187] : memref<1x5120xf32, #tpu.memory_space<vmem>>, vector<1x1024xf32>
        %gt3A_189 = arith.constant 5.000000e-01 : f32
        %gt3A_190 = vector.broadcast %gt3A_189 : f32 to vector<1x1024xf32>
        %gt3A_191 = arith.cmpf ogt, %dot_general3A_183, %gt3A_190 : vector<1x1024xf32>
        %jit3A_192 = arith.constant 0.000000e+00 : f32
        %broadcast_in_dim3A_193 = vector.broadcast %jit3A_192 : f32 to vector<1x1024xf32>
        %select_n3A_194 = arith.select %gt3A_191, %broadcast_in_dim3A_193, %get3A_188 : vector<1x1024xi1>, vector<1x1024xf32>
        %mul3A_195 = arith.constant 1024 : i32
        %mul3A_196 = arith.muli %while3A_134, %mul3A_195 : i32
        %swap3A_197 = arith.constant 0 : index
        %swap3A_198 = arith.index_cast %mul3A_196 : i32 to index
        %swap3A_199 = vector.load %arg5[%swap3A_197, %swap3A_198] : memref<1x5120xf32, #tpu.memory_space<vmem>>, vector<1x1024xf32>
        tpu.vector_store %arg5[%swap3A_197, %swap3A_198], %select_n3A_194 {strides = array<i32>} : memref<1x5120xf32, #tpu.memory_space<vmem>>, vector<1x1024xf32>,
      }
      %add3A_131 = arith.constant 1.000000e+00 : f32
      %add3A_132 = arith.addf %while3A_98, %add3A_131 : f32
      %while3A_133 = arith.constant 0 : i32
      scf.yield %add3A_132, %while3A_133 : f32, i32
    }
    return
  }
  func.func @transform_0(%arg0: i32) -> (i32, i32) {
    %c0_i32 = arith.constant 0 : i32
    %c0_i32_0 = arith.constant 0 : i32
    return %arg0, %c0_i32 : i32, i32
  }
  func.func @transform_1(%arg0: i32) -> (i32, i32) {
    %c0_i32 = arith.constant 0 : i32
    %c0_i32_0 = arith.constant 0 : i32
    %c0_i32_1 = arith.constant 0 : i32
    return %c0_i32, %c0_i32_0 : i32, i32
  }
  func.func @transform_2(%arg0: i32) -> (i32, i32) {
    %c0_i32 = arith.constant 0 : i32
    %c0_i32_0 = arith.constant 0 : i32
    return %c0_i32, %arg0 : i32, i32
  }
  func.func @transform_3(%arg0: i32) -> (i32, i32) {
    %c0_i32 = arith.constant 0 : i32
    %c0_i32_0 = arith.constant 0 : i32
    %c0_i32_1 = arith.constant 0 : i32
    return %c0_i32, %c0_i32_0 : i32, i32
  }
  func.func @transform_4(%arg0: i32) -> (i32, i32) {
    %c0_i32 = arith.constant 0 : i32
    %c0_i32_0 = arith.constant 0 : i32
    %c0_i32_1 = arith.constant 0 : i32
    return %c0_i32, %c0_i32_0 : i32, i32
  }
}

</mosaic_0001>

<sc_bundles>
// kernel: gather_offload_async_start.1
scs
__scs_entry_jumppad:
0x0: {  	(pc) =	sbr.rel $0x88, $3  }
0x1: {  	(tag) =	ssettag $0x0;
	lr =	simm.s32 $0x1  }
0x2: {  	[smem:$0x3F9F] =	sst lr;
	_ =	strace $0xD0000000  }
0x3: {  	_ = 	snop  }
0x4: {  	_ = 	snop  }
0x5: {  	_ = 	snop  }
0x6: {  	_ = 	snop  }
0x7: {  	_ = 	snop  }
__scs_overlays_trampoline_lowered:
0x8: {  	[smem:$0x3FAE] =	sst s0  }
0x9: {  	[smem:$0x3FAF] =	sst s1  }
0xa: {  	[smem:$0x3FB0] =	sst s2  }
0xb: {  	[smem:$0x3FB1] =	sst s3  }
0xc: {  	[smem:$0x3FB2] =	sst s4  }
0xd: {  	[smem:$0x3FB3] =	sst s5  }
0xe: {  	[smem:$0x3FB4] =	sst s6  }
0xf: {  	[smem:$0x3FB5] =	sst s7  }
0x10: {  	[smem:$0x3FB6] =	sst s8  }
0x11: {  	[smem:$0x3FB7] =	sst s9;
	s0 =	simm.s32 @!p0 $0x0  }
0x12: {  	s1 =	sld [smem:$0x3F9D];
	s0 =	simm.s32 @p0 $0x1  }
0x13: {  	[smem:$0x3FB8] =	sst s0;
	s0 =	simm.s32 @!p1 $0x0  }
0x14: {  	s2 =	sld [smem:$0x3F9C];
	s0 =	simm.s32 @p1 $0x1  }
0x15: {  	[smem:$0x3FB9] =	sst s0;
	s0 =	simm.s32 @!p2 $0x0  }
0x16: {  	s3 =	sld [smem:$0x3FDB];
	s0 =	simm.s32 @p2 $0x1  }
0x17: {  	s4 =	simm.s32 $0x1BF5;
	[smem:$0x3FBB] =	sst s0  }
0x18: {  	s0 =	sld [smem:$0x3F9E];
	_ =	swait.ge [sflag:s4], $0x0  }
0x19: {  	s7 =	sld [smem:$0x3F9F]  }
0x1a: {  	s8 =	sadd.s32 $0xFFFFE003, lr  }
0x1b: {  	s9 =	sadd.s32 $0xFFFFFEF7, lr;
	s5 =	simm.s32 $0xFFFFFFFF;
	p2 =	slt.u32 s8, $0xFFFFF086  }
0x1c: {  	p1 =	slt.u32 s9, $0xF7A;
	s5 =	simm.s32 @!p2 $0x0  }
0x1d: {  	s5 =	simm.s32 @p1 $0x1;
	p0 =	seq.s32 s7, s2  }
0x1e: {  	s7 =	smul.u32 @!p0 $0xF7A, s2;
	p2 =	seq.s32 @!p0 s5, $0x0  }
0x1f: {  	s9 =	smul.u32 $0xF7A, s1;
	s8 =	simm.s32 @!p0 $0x1BF5;
	p2 =	por !p2, p0  }
0x20: {  	[sflag:s8] =	ssyncset.s32 @!p0 $0xFFFFF086;
	s6 =	sadd.s32 @!p0 s3, s7;
	s7 =	simm.s32 @!p0 $0x108  }
0x21: {  	s3 =	sadd.s32 s3, s9;
	s6 =	sadd.s32 @!p0 $0x88, s6;
	s7 =	simm.s32 @p2 $0x1082  }
0x22: {  	[simem:s7], [sflag:s8] =	dma.local @!p0 [hbm:s6], $0xF7A  }
0x23: {  	s9 =	sor.u32 $0xD0000000, s2;
	s6 =	simm.s32 $0x108;
	_ =	swait.ge @!p0 [sflag:s8], $0x0  }
0x24: {  	s3 =	sadd.s32 $0x88, s3;
	s6 =	simm.s32 @!p1 $0x1082;
	[sflag:s4] =	ssyncset.s32 $0xFFFFF086  }
0x25: {  	[simem:s6], [sflag:s4] =	dma.local [hbm:s3], $0xF7A  }
0x26: {  	[smem:$0x3F9F] =	sst s1;
	(tag) =	ssettag s2;
	_ =	strace s9  }
0x27: {  	s1 =	sld [smem:$0x3FAF]  }
0x28: {  	s2 =	sld [smem:$0x3FB0]  }
0x29: {  	s4 =	sld [smem:$0x3FB2]  }
0x2a: {  	p0 =	seq.s32 s5, $0x0;
	s5 =	sld [smem:$0x3FB3]  }
0x2b: {  	s6 =	sld [smem:$0x3FB4]  }
0x2c: {  	s7 =	sld [smem:$0x3FB5]  }
0x2d: {  	s3 =	simm.s32 $0x108;
	s8 =	sld [smem:$0x3FB6]  }
0x2e: {  	s3 =	simm.s32 @!p0 $0x1082;
	s9 =	sld [smem:$0x3FB7]  }
0x2f: {  	lr =	sadd.s32 s0, s3;
	s0 =	sld [smem:$0x3FAE]  }
0x30: {  	s3 =	sld [smem:$0x3FB1]  }
0x31: {  	[smem:$0x3FBA] =	sst s10  }
0x32: {  	s10 =	sld [smem:$0x3FB8];
	_ =	sdelay $0x3  }
0x33: {  	p0 =	seq.s32 s10, $0x1;
	s10 =	sld [smem:$0x3FBA];
	_ =	sdelay $0x3  }
0x34: {  	[smem:$0x3FBA] =	sst s10  }
0x35: {  	s10 =	sld [smem:$0x3FB9];
	_ =	sdelay $0x3  }
0x36: {  	p1 =	seq.s32 s10, $0x1;
	s10 =	sld [smem:$0x3FBA];
	_ =	sdelay $0x3  }
0x37: {  	[smem:$0x3FBA] =	sst s10  }
0x38: {  	s10 =	sld [smem:$0x3FBB]  }
0x39: {  	_ = 	snop;
	(pc) =	sbr.ind lr, $3  }
0x3a: {  	_ = 	snop  }
0x3b: {  	_ = 	snop  }
0x3c: {  	p2 =	seq.s32 s10, $0x1;
	s10 =	sld [smem:$0x3FBA]  }
0x3d: {  	_ =	shalt  }
0x3e: {  	_ =	shalt  }
0x3f: {  	_ =	shalt  }
0x40: {  	_ =	shalt  }
0x41: {  	_ =	shalt  }
0x42: {  	_ =	shalt  }
0x43: {  	_ =	shalt  }
0x44: {  	_ =	shalt  }
0x45: {  	_ =	shalt  }
0x46: {  	_ =	shalt  }
0x47: {  	_ =	shalt  }
0x48: {  	_ =	shalt  }
0x49: {  	_ =	shalt  }
0x4a: {  	_ =	shalt  }
0x4b: {  	_ =	shalt  }
0x4c: {  	_ =	shalt  }
0x4d: {  	_ =	shalt  }
0x4e: {  	_ =	shalt  }
0x4f: {  	_ =	shalt  }
0x50: {  	_ =	shalt  }
0x51: {  	_ =	shalt  }
0x52: {  	_ =	shalt  }
0x53: {  	_ =	shalt  }
0x54: {  	_ =	shalt  }
0x55: {  	_ =	shalt  }
0x56: {  	_ =	shalt  }
0x57: {  	_ =	shalt  }
0x58: {  	_ =	shalt  }
0x59: {  	_ =	shalt  }
0x5a: {  	_ =	shalt  }
0x5b: {  	_ =	shalt  }
0x5c: {  	_ =	shalt  }
0x5d: {  	_ =	shalt  }
0x5e: {  	_ =	shalt  }
0x5f: {  	_ =	shalt  }
0x60: {  	_ =	shalt  }
0x61: {  	_ =	shalt  }
0x62: {  	_ =	shalt  }
0x63: {  	_ =	shalt  }
0x64: {  	_ =	shalt  }
0x65: {  	_ =	shalt  }
0x66: {  	_ =	shalt  }
0x67: {  	_ =	shalt  }
0x68: {  	_ =	shalt  }
0x69: {  	_ =	shalt  }
0x6a: {  	_ =	shalt  }
0x6b: {  	_ =	shalt  }
0x6c: {  	_ =	shalt  }
0x6d: {  	_ =	shalt  }
0x6e: {  	_ =	shalt  }
0x6f: {  	_ =	shalt  }
0x70: {  	_ =	shalt  }
0x71: {  	_ =	shalt  }
0x72: {  	_ =	shalt  }
0x73: {  	_ =	shalt  }
0x74: {  	_ =	shalt  }
0x75: {  	_ =	shalt  }
0x76: {  	_ =	shalt  }
0x77: {  	_ =	shalt  }
0x78: {  	_ =	shalt  }
0x79: {  	_ =	shalt  }
0x7a: {  	_ =	shalt  }
0x7b: {  	_ =	shalt  }
0x7c: {  	_ =	shalt  }
0x7d: {  	_ =	shalt  }
0x7e: {  	_ =	shalt  }
0x7f: {  	_ =	shalt  }
0x80: {  	_ =	shalt  }
0x81: {  	_ =	shalt  }
0x82: {  	_ =	shalt  }
0x83: {  	_ =	shalt  }
0x84: {  	_ =	shalt  }
0x85: {  	_ =	shalt  }
0x86: {  	_ =	shalt  }
0x87: {  	_ =	shalt  }
.Lfunc_end0:
.L_simem_size_0:
called_computation.1_lowered:
.L_overlay_start_0:
0x88: {  	s0 =	sld [smem:$0x3FD9]  }
0x89: {  	s1 =	sld [smem:$0x3FFE];
	_ =	sdelay $0x3  }
0x8a: {  	s0 =	sadd.s32 s1, s0  }
0x8b: {  	[smem:$0x3FC6] =	sst s0  }
0x8c: {  	_ = 	snop  }
0x8d: {  	(tm) =	ssettm $0x1  }
0x8e: {  	s15 =	sld [smem:$0x3FFB];
	_ =	sdelay $0x3  }
0x8f: {  	_ =	strace s15  }
0x90: {  	s0 =	sld [smem:$0x3FFC];
	_ =	sdelay $0x3  }
0x91: {  	_ =	strace s0  }
0x92: {  	s0 =	sld [smem:$0x3FFD];
	_ =	sdelay $0x3  }
0x93: {  	_ =	strace s0  }
0x94: {  	_ =	strace $0x8FFFFFFF  }
0x95: {  	s16 =	sld [smem:$0x3FDB];
	_ =	sdelay $0x1  }
0x96: {  	s17 =	simm.s32 $_scs_section_size  }
0x97: {  	s2 =	simm.s32 $_size__tile_overlayer_lowered;
	s3 =	simm.s32 $_tile_overlayer_lowered  }
0x98: {  	s20 =	simm.s32 $0x1BFF;
	s19 =	sshll.u32 s3, $0x1;
	s0 =	sadd.s32 s17, s16  }
0x99: {  	s4 =	simm.s32 $0x0;
	s18 =	sshll.u32 s2, $0x1;
	s2 =	sadd.s32 s19, s0  }
0x9a: {  	[timem:s4], [sflag:s20] =	dma.local [hbm:s2], s18  }
0x9b: {  	_ =	swait.ge [sflag:s20], s18  }
0x9c: {  	s1 =	ssub.s32 $0x0, s18;
	[sflag:s20] =	ssyncset.done $0x0  }
0x9d: {  	[sflag:s20] =	ssyncadd.s32 s1;
	_ =	sdelay $0x1  }
0x9e: {  	s21 =	simm.s32 $0x1B8B  }
0x9f: {  	_ =	swait.ge [sflag:s21], $0x1  }
0xa0: {  	[sflag:s21] =	ssyncset.done $0x0  }
0xa1: {  	s23 =	simm.s32 $0x1B8E;
	s22 =	sld [smem:$0x3FFE];
	[sflag:s21] =	ssyncadd.s32 $0xFFFFFFFF  }
0xa2: {  	s24 =	simm.s32 $execute0_lowered;
	[smem:$0x3FD2] =	sst s23  }
0xa3: {  	s2 =	sshll.u32 s24, $0x1;
	_ =	strace $0x80000046;
	[dreg:$0x1] =	wrdreg $0xFFFFFFFF  }
0xa4: {  	s25 =	simm.s32 $_size_execute0_lowered;
	s0 =	sadd.s32 s0, s2;
	[dreg:$0x0] =	wrdreg $0x0  }
0xa5: {  	s2 =	sshll.u32 s25, $0x1;
	[dreg:$0x2] =	wrdreg s0  }
0xa6: {  	[dreg:$0x3] =	wrdreg s2  }
0xa7: {  	[dreg:$0x4] =	wrdreg $0xC0  }
0xa8: {  	_ =	task [dreg:s4], $0x5FFFF  }
0xa9: {  	[dreg:$0x1] =	wrdreg $0xFFFFFFFF  }
0xaa: {  	[dreg:$0x0] =	wrdreg $0x60  }
0xab: {  	[dreg:$0x2] =	wrdreg s22  }
0xac: {  	[dreg:$0x3] =	wrdreg $0xA  }
0xad: {  	_ =	task.clear_ibuf [dreg:s4], $0x4FFFF;
	_ =	strace $0x90000046  }
0xae: {  	s26 =	simm.s32 $0xA;
	_ =	strace $0x80000048  }
0xaf: {  	_ =	swait.ge [sflag:s26], $0x1  }
0xb0: {  	[sflag:s26] =	ssyncadd.s32 $0xFFFFFFFF  }
0xb1: {  	_ =	strace $0x90000048  }
0xb2: {  	_ =	sfence  }
0xb3: {  	s28 =	sld [smem:$0x0];
	_ =	sdelay $0x1  }
0xb4: {  	s29 =	srdreg.scid  }
0xb5: {  	s30 =	sshll.u32 s29, $0xD;
	s31 =	sshrl.u32 s29, $0x2  }
0xb6: {  	s1 =	sand.u32 $0x1, s29;
	s2 =	sand.u32 $0x4000, s30;
	s0 =	sadd.s32 s31, s28  }
0xb7: {  	s1 =	sor.u32 s2, s1;
	s0 =	sshll.u32 s0, $0x11  }
0xb8: {  	s0 =	sor.u32 s0, s1  }
0xb9: {  	s0 =	sadd.s32 $0x8F2B, s0  }
0xba: {  	[sflag:s0] =	ssyncadd.remote.s32 $0x1  }
0xbb: {  	_ =	sfence.sel $0xFFFF  }
0xbc: {  	[dreg:$0x0] =	wrdreg $0xFFFFFFFF;
	(pc) =	sbr.abs _section_cstart, $3  }
0xbd: {  	[dreg:$0x1] =	wrdreg $0xFFFFFFFF  }
0xbe: {  	_ =	task.clear_ibuf [dreg:s4], $0x2FFFF;
	_ =	strace $0x9FFFFFFF  }
0xbf: {  	(tm) =	ssettm $0x7FFFFFFF  }
tec
execute0_lowered:
.L_overlay_start_1:
0x0: {  	(tag) =	ssettag $0x1  }
0x1: {  	s2 =	rddreg [dreg:$0x0]  }
0x2: {  	s0 =	rddreg [dreg:$0x1];
	s1 =	stileid.u32;
	_ =	strace $0x80000047  }
0x3: {  	s6 =	simm.s32 $0x1;
	s8 =	simm.s32 $0x2;
	s30 =	simm.s32 $0x3  }
0x4: {  	s12 =	simm.s32 $0x0;
	s9 =	simm.s32 $0x0;
	s4 =	sshll.u32 s1, $0x4  }
0x5: {  	s10 =	simm.s32 $0x0;
	s3 =	sadd.s32 $0x400, s2;
	s7 =	ssub.s32 $0x1380, s4  }
0x6: {  	s5 =	sadd.s32 $0x800, s2;
	[sflag:s6] =	ssyncpa.u1 $0x0;
	s6 =	sshrl.u32 s7, $0x8  }
0x7: {  	[sflag:s8] =	ssyncpa.u1 $0x0;
	s11 =	smov.u32 s4;
	s31 =	sshll.u32 s6, $0x4  }
0x8: {  	[sflag:s30] =	ssyncpa.u1 $0x0;
	s7 =	sadd.s32 $0x2, s6;
	s8 =	sadd.s32 $0x30, s31  }
.LBB2_1:
0x9: {  	p0 =	sgt.u32 s10, s6  }
0xa: {  	s13 =	sxor.u32 @!p0 $0xFFFFFFFF, s9;
	s14 =	sshrl.u32 @!p0 s11, $0x3  }
0xb: {  	s15 =	sand.u32 @!p0 $0x7, s11;
	s13 =	sand.u32 @!p0 $0x10, s13;
	s14 =	sadd.s32 @!p0 s3, s14  }
0xc: {  	[tilespmem:s13], [sflag:$0x2] =	stream.linear.gather @!p0 [hbm4b:s14+s15], $0x10, $0x38;
	[tilespmem:$0x40] =	vst v63  }
0xd: {  	p0 =	seq.s32 s9, $0x0  }
0xe: {  	p1 =	sge.u32 @!p0 s10, s7  }
0xf: {  	p0 =	por p1, p0  }
0x10: {  	s13 =	simm.s32 @!p0 $0x2  }
0x11: {  	_ =	swait.ge @!p0 [sflag:s13], $0x10  }
0x12: {  	[sflag:s13] =	ssyncset.done @!p0 $0x0  }
0x13: {  	[sflag:s13] =	ssyncadd.s32 @!p0 $0xFFFFFFF0;
	s13 =	sand.u32 @!p0 $0x10, s9  }
0x14: {  	(ifvalue) =	ssetifvalue @!p0 $0x7FFFFFFF;
	v0 =	vld.msk @!p0 [tilespmem:s13+$0x0 ss:$0x1], $0xffff;
	_ =	sdelay $0x4  }
0x15: {  	vm0 =	vgt.s32 @!p0 v0, $0x0  }
0x16: {  	v0 =	vnsel @!p0 vm0, $0x0, v0  }
0x17: {  	v0 =	vmin.u32 @!p0 v0, $0x1387;
	_ =	sdelay $0x3  }
0x18: {  	s14 =	simm.s32 @!p0 $0x0;
	s13 =	sor.u32 @!p0 $0x20, s13;
	(ifvalue) =	ssetifvalue @!p0 $0x7FFFFFFF;
	vm0 =	vmmov @!p0 $0xffff  }
0x19: {  	[tilespmem:s13], [sflag:$0x1] =	stream.indirect_vreg.gather @!p0 [hbm4b:s2+s14], $0x1, v0, vm0, $0x4038;
	[tilespmem:$0x40] =	vst v63  }
0x1a: {  	s14 =	simm.s32 @!p0 $0x1  }
0x1b: {  	_ =	swait.ge @!p0 [sflag:s14], $0x10  }
0x1c: {  	s15 =	sshrl.u32 @!p0 s12, $0x3;
	[sflag:s14] =	ssyncset.done @!p0 $0x0  }
0x1d: {  	s12 =	sand.u32 @!p0 $0x7, s12;
	[sflag:s14] =	ssyncadd.s32 @!p0 $0xFFFFFFF0;
	s14 =	sadd.s32 @!p0 s5, s15  }
0x1e: {  	[hbm4b:s14+s12] =	stream.linear.scatter @!p0 [tilespmem:s13], [sflag:$0x3], $0x10, $0x38;
	[tilespmem:$0x40] =	vst v63  }
0x1f: {  	s14 =	sadd.s32 $0x100, s11  }
0x20: {  	s9 =	sadd.s32 $0x10, s9;
	p1 =	sgt.s32 s14, $0x1387  }
0x21: {  	s14 =	smov.u32 @p1 s4;
	p1 =	sne.s32 s8, s9  }
.Ltmp0:
0x22: {  	p0 =	slt.u32 s10, $0x2;
	(pc) =	sbr.rel @p1 .LBB2_1-.Ltmp0, $4  }
0x23: {  	s13 =	simm.s32 @!p0 $0x3  }
0x24: {  	_ =	swait.ge @!p0 [sflag:s13], $0x10  }
0x25: {  	s12 =	smov.u32 s11;
	[sflag:s13] =	ssyncset.done @!p0 $0x0  }
0x26: {  	s10 =	sadd.s32 $0x1, s10;
	s11 =	smov.u32 s14;
	[sflag:s13] =	ssyncadd.s32 @!p0 $0xFFFFFFF0  }
0x27: {  	_ =	sfence.sel $0x180000  }
0x28: {  	s2 =	simm.s32 $0x2;
	[bflag:$0x0] =	sbarrier.arrive $0xFFFF  }
0x29: {  	s30 =	simm.s32 $0x3;
	[sflag:s2] =	ssyncpa.u1 $0x1  }
0x2a: {  	s31 =	simm.s32 $0x1;
	[sflag:s30] =	ssyncpa.u1 $0x1  }
0x2b: {  	[sflag:s31] =	ssyncpa.u1 $0x1  }
0x2c: {  	p0 =	sne.s32 s1, $0x0;
	_ =	strace $0x90000047  }
0x2d: {  	s0 =	sadd.s32 @!p0 $0x100000, s0;
	[bflag:$0x2] =	sbarrier.arrive $0xFFFF  }
0x2e: {  	[sflag:s0] =	ssyncadd.tile.s32 @!p0 $0x1;
	_ =	shalt  }
.Lfunc_end2:
_tile_overlayer_lowered:
.L_overlay_start_2:
0x2f: {  	(tag) =	ssettag $0x2  }
0x30: {  	s0 =	rddreg [dreg:$0x0];
	s2 =	stileid.u32  }
0x31: {  	s1 =	rddreg [dreg:$0x1];
	p0 =	sne.s32 s2, $0x0  }
0x32: {  	s3 =	rddreg [dreg:$0x2];
	[bflag:$0x3] =	sbarrier.arrive $0xFFFF;
	s2 =	simm.s32 @!p0 $0x1C01  }
0x33: {  	[timem:s3], [sflag:s2] =	dma.local @!p0 [hbm:s0], s1  }
0x34: {  	s0 =	simm.s32 @!p0 $0x1  }
0x35: {  	_ =	swait.ge @!p0 [sflag:s0], s1  }
0x36: {  	s1 =	ssub.s32 @!p0 $0x0, s1;
	[sflag:s0] =	ssyncset.done @!p0 $0x0  }
0x37: {  	[sflag:s0] =	ssyncadd.s32 @!p0 s1  }
0x38: {  	[bflag:$0x3] =	sbarrier.arrive $0xFFFF  }
0x39: {  	_ =	shalt  }

// kernel: gather_offload_async_start
scs
__scs_entry_jumppad:
0x0: {  	(pc) =	sbr.rel $0x88, $3  }
0x1: {  	(tag) =	ssettag $0x0;
	lr =	simm.s32 $0x1  }
0x2: {  	[smem:$0x3F9F] =	sst lr;
	_ =	strace $0xD0000000  }
0x3: {  	_ = 	snop  }
0x4: {  	_ = 	snop  }
0x5: {  	_ = 	snop  }
0x6: {  	_ = 	snop  }
0x7: {  	_ = 	snop  }
__scs_overlays_trampoline_lowered:
0x8: {  	[smem:$0x3FAE] =	sst s0  }
0x9: {  	[smem:$0x3FAF] =	sst s1  }
0xa: {  	[smem:$0x3FB0] =	sst s2  }
0xb: {  	[smem:$0x3FB1] =	sst s3  }
0xc: {  	[smem:$0x3FB2] =	sst s4  }
0xd: {  	[smem:$0x3FB3] =	sst s5  }
0xe: {  	[smem:$0x3FB4] =	sst s6  }
0xf: {  	[smem:$0x3FB5] =	sst s7  }
0x10: {  	[smem:$0x3FB6] =	sst s8  }
0x11: {  	[smem:$0x3FB7] =	sst s9;
	s0 =	simm.s32 @!p0 $0x0  }
0x12: {  	s1 =	sld [smem:$0x3F9D];
	s0 =	simm.s32 @p0 $0x1  }
0x13: {  	[smem:$0x3FB8] =	sst s0;
	s0 =	simm.s32 @!p1 $0x0  }
0x14: {  	s2 =	sld [smem:$0x3F9C];
	s0 =	simm.s32 @p1 $0x1  }
0x15: {  	[smem:$0x3FB9] =	sst s0;
	s0 =	simm.s32 @!p2 $0x0  }
0x16: {  	s3 =	sld [smem:$0x3FDB];
	s0 =	simm.s32 @p2 $0x1  }
0x17: {  	s4 =	simm.s32 $0x1BF5;
	[smem:$0x3FBB] =	sst s0  }
0x18: {  	s0 =	sld [smem:$0x3F9E];
	_ =	swait.ge [sflag:s4], $0x0  }
0x19: {  	s7 =	sld [smem:$0x3F9F]  }
0x1a: {  	s8 =	sadd.s32 $0xFFFFE003, lr  }
0x1b: {  	s9 =	sadd.s32 $0xFFFFFEF7, lr;
	s5 =	simm.s32 $0xFFFFFFFF;
	p2 =	slt.u32 s8, $0xFFFFF086  }
0x1c: {  	p1 =	slt.u32 s9, $0xF7A;
	s5 =	simm.s32 @!p2 $0x0  }
0x1d: {  	s5 =	simm.s32 @p1 $0x1;
	p0 =	seq.s32 s7, s2  }
0x1e: {  	s7 =	smul.u32 @!p0 $0xF7A, s2;
	p2 =	seq.s32 @!p0 s5, $0x0  }
0x1f: {  	s9 =	smul.u32 $0xF7A, s1;
	s8 =	simm.s32 @!p0 $0x1BF5;
	p2 =	por !p2, p0  }
0x20: {  	[sflag:s8] =	ssyncset.s32 @!p0 $0xFFFFF086;
	s6 =	sadd.s32 @!p0 s3, s7;
	s7 =	simm.s32 @!p0 $0x108  }
0x21: {  	s3 =	sadd.s32 s3, s9;
	s6 =	sadd.s32 @!p0 $0x88, s6;
	s7 =	simm.s32 @p2 $0x1082  }
0x22: {  	[simem:s7], [sflag:s8] =	dma.local @!p0 [hbm:s6], $0xF7A  }
0x23: {  	s9 =	sor.u32 $0xD0000000, s2;
	s6 =	simm.s32 $0x108;
	_ =	swait.ge @!p0 [sflag:s8], $0x0  }
0x24: {  	s3 =	sadd.s32 $0x88, s3;
	s6 =	simm.s32 @!p1 $0x1082;
	[sflag:s4] =	ssyncset.s32 $0xFFFFF086  }
0x25: {  	[simem:s6], [sflag:s4] =	dma.local [hbm:s3], $0xF7A  }
0x26: {  	[smem:$0x3F9F] =	sst s1;
	(tag) =	ssettag s2;
	_ =	strace s9  }
0x27: {  	s1 =	sld [smem:$0x3FAF]  }
0x28: {  	s2 =	sld [smem:$0x3FB0]  }
0x29: {  	s4 =	sld [smem:$0x3FB2]  }
0x2a: {  	p0 =	seq.s32 s5, $0x0;
	s5 =	sld [smem:$0x3FB3]  }
0x2b: {  	s6 =	sld [smem:$0x3FB4]  }
0x2c: {  	s7 =	sld [smem:$0x3FB5]  }
0x2d: {  	s3 =	simm.s32 $0x108;
	s8 =	sld [smem:$0x3FB6]  }
0x2e: {  	s3 =	simm.s32 @!p0 $0x1082;
	s9 =	sld [smem:$0x3FB7]  }
0x2f: {  	lr =	sadd.s32 s0, s3;
	s0 =	sld [smem:$0x3FAE]  }
0x30: {  	s3 =	sld [smem:$0x3FB1]  }
0x31: {  	[smem:$0x3FBA] =	sst s10  }
0x32: {  	s10 =	sld [smem:$0x3FB8];
	_ =	sdelay $0x3  }
0x33: {  	p0 =	seq.s32 s10, $0x1;
	s10 =	sld [smem:$0x3FBA];
	_ =	sdelay $0x3  }
0x34: {  	[smem:$0x3FBA] =	sst s10  }
0x35: {  	s10 =	sld [smem:$0x3FB9];
	_ =	sdelay $0x3  }
0x36: {  	p1 =	seq.s32 s10, $0x1;
	s10 =	sld [smem:$0x3FBA];
	_ =	sdelay $0x3  }
0x37: {  	[smem:$0x3FBA] =	sst s10  }
0x38: {  	s10 =	sld [smem:$0x3FBB]  }
0x39: {  	_ = 	snop;
	(pc) =	sbr.ind lr, $3  }
0x3a: {  	_ = 	snop  }
0x3b: {  	_ = 	snop  }
0x3c: {  	p2 =	seq.s32 s10, $0x1;
	s10 =	sld [smem:$0x3FBA]  }
0x3d: {  	_ =	shalt  }
0x3e: {  	_ =	shalt  }
0x3f: {  	_ =	shalt  }
0x40: {  	_ =	shalt  }
0x41: {  	_ =	shalt  }
0x42: {  	_ =	shalt  }
0x43: {  	_ =	shalt  }
0x44: {  	_ =	shalt  }
0x45: {  	_ =	shalt  }
0x46: {  	_ =	shalt  }
0x47: {  	_ =	shalt  }
0x48: {  	_ =	shalt  }
0x49: {  	_ =	shalt  }
0x4a: {  	_ =	shalt  }
0x4b: {  	_ =	shalt  }
0x4c: {  	_ =	shalt  }
0x4d: {  	_ =	shalt  }
0x4e: {  	_ =	shalt  }
0x4f: {  	_ =	shalt  }
0x50: {  	_ =	shalt  }
0x51: {  	_ =	shalt  }
0x52: {  	_ =	shalt  }
0x53: {  	_ =	shalt  }
0x54: {  	_ =	shalt  }
0x55: {  	_ =	shalt  }
0x56: {  	_ =	shalt  }
0x57: {  	_ =	shalt  }
0x58: {  	_ =	shalt  }
0x59: {  	_ =	shalt  }
0x5a: {  	_ =	shalt  }
0x5b: {  	_ =	shalt  }
0x5c: {  	_ =	shalt  }
0x5d: {  	_ =	shalt  }
0x5e: {  	_ =	shalt  }
0x5f: {  	_ =	shalt  }
0x60: {  	_ =	shalt  }
0x61: {  	_ =	shalt  }
0x62: {  	_ =	shalt  }
0x63: {  	_ =	shalt  }
0x64: {  	_ =	shalt  }
0x65: {  	_ =	shalt  }
0x66: {  	_ =	shalt  }
0x67: {  	_ =	shalt  }
0x68: {  	_ =	shalt  }
0x69: {  	_ =	shalt  }
0x6a: {  	_ =	shalt  }
0x6b: {  	_ =	shalt  }
0x6c: {  	_ =	shalt  }
0x6d: {  	_ =	shalt  }
0x6e: {  	_ =	shalt  }
0x6f: {  	_ =	shalt  }
0x70: {  	_ =	shalt  }
0x71: {  	_ =	shalt  }
0x72: {  	_ =	shalt  }
0x73: {  	_ =	shalt  }
0x74: {  	_ =	shalt  }
0x75: {  	_ =	shalt  }
0x76: {  	_ =	shalt  }
0x77: {  	_ =	shalt  }
0x78: {  	_ =	shalt  }
0x79: {  	_ =	shalt  }
0x7a: {  	_ =	shalt  }
0x7b: {  	_ =	shalt  }
0x7c: {  	_ =	shalt  }
0x7d: {  	_ =	shalt  }
0x7e: {  	_ =	shalt  }
0x7f: {  	_ =	shalt  }
0x80: {  	_ =	shalt  }
0x81: {  	_ =	shalt  }
0x82: {  	_ =	shalt  }
0x83: {  	_ =	shalt  }
0x84: {  	_ =	shalt  }
0x85: {  	_ =	shalt  }
0x86: {  	_ =	shalt  }
0x87: {  	_ =	shalt  }
.Lfunc_end0:
.L_simem_size_0:
called_computation_lowered:
.L_overlay_start_0:
0x88: {  	s0 =	sld [smem:$0x3FD9]  }
0x89: {  	s1 =	sld [smem:$0x3FFE];
	_ =	sdelay $0x3  }
0x8a: {  	s0 =	sadd.s32 s1, s0  }
0x8b: {  	[smem:$0x3FC6] =	sst s0  }
0x8c: {  	_ = 	snop  }
0x8d: {  	(tm) =	ssettm $0x1  }
0x8e: {  	s15 =	sld [smem:$0x3FFB];
	_ =	sdelay $0x3  }
0x8f: {  	_ =	strace s15  }
0x90: {  	s0 =	sld [smem:$0x3FFC];
	_ =	sdelay $0x3  }
0x91: {  	_ =	strace s0  }
0x92: {  	s0 =	sld [smem:$0x3FFD];
	_ =	sdelay $0x3  }
0x93: {  	_ =	strace s0  }
0x94: {  	_ =	strace $0x8FFFFFFF  }
0x95: {  	s16 =	sld [smem:$0x3FDB];
	_ =	sdelay $0x1  }
0x96: {  	s17 =	simm.s32 $_scs_section_size  }
0x97: {  	s2 =	simm.s32 $_size__tile_overlayer_lowered;
	s3 =	simm.s32 $_tile_overlayer_lowered  }
0x98: {  	s20 =	simm.s32 $0x1BFF;
	s19 =	sshll.u32 s3, $0x1;
	s0 =	sadd.s32 s17, s16  }
0x99: {  	s4 =	simm.s32 $0x0;
	s18 =	sshll.u32 s2, $0x1;
	s2 =	sadd.s32 s19, s0  }
0x9a: {  	[timem:s4], [sflag:s20] =	dma.local [hbm:s2], s18  }
0x9b: {  	_ =	swait.ge [sflag:s20], s18  }
0x9c: {  	s1 =	ssub.s32 $0x0, s18;
	[sflag:s20] =	ssyncset.done $0x0  }
0x9d: {  	[sflag:s20] =	ssyncadd.s32 s1;
	_ =	sdelay $0x1  }
0x9e: {  	s21 =	simm.s32 $0x1B8B  }
0x9f: {  	_ =	swait.ge [sflag:s21], $0x1  }
0xa0: {  	[sflag:s21] =	ssyncset.done $0x0  }
0xa1: {  	s23 =	simm.s32 $0x1B8E;
	s22 =	sld [smem:$0x3FFE];
	[sflag:s21] =	ssyncadd.s32 $0xFFFFFFFF  }
0xa2: {  	s24 =	simm.s32 $execute0_lowered;
	[smem:$0x3FD2] =	sst s23  }
0xa3: {  	s2 =	sshll.u32 s24, $0x1;
	_ =	strace $0x80000049;
	[dreg:$0x1] =	wrdreg $0xFFFFFFFF  }
0xa4: {  	s25 =	simm.s32 $_size_execute0_lowered;
	s0 =	sadd.s32 s0, s2;
	[dreg:$0x0] =	wrdreg $0x0  }
0xa5: {  	s2 =	sshll.u32 s25, $0x1;
	[dreg:$0x2] =	wrdreg s0  }
0xa6: {  	[dreg:$0x3] =	wrdreg s2  }
0xa7: {  	[dreg:$0x4] =	wrdreg $0xC0  }
0xa8: {  	_ =	task [dreg:s4], $0x5FFFF  }
0xa9: {  	[dreg:$0x1] =	wrdreg $0xFFFFFFFF  }
0xaa: {  	[dreg:$0x0] =	wrdreg $0x60  }
0xab: {  	[dreg:$0x2] =	wrdreg s22  }
0xac: {  	[dreg:$0x3] =	wrdreg $0x9  }
0xad: {  	_ =	task.clear_ibuf [dreg:s4], $0x4FFFF;
	_ =	strace $0x90000049  }
0xae: {  	s26 =	simm.s32 $0x9;
	_ =	strace $0x8000004B  }
0xaf: {  	_ =	swait.ge [sflag:s26], $0x1  }
0xb0: {  	[sflag:s26] =	ssyncadd.s32 $0xFFFFFFFF  }
0xb1: {  	_ =	strace $0x9000004B  }
0xb2: {  	_ =	sfence  }
0xb3: {  	s28 =	sld [smem:$0x0];
	_ =	sdelay $0x1  }
0xb4: {  	s29 =	srdreg.scid  }
0xb5: {  	s30 =	sshll.u32 s29, $0xD;
	s31 =	sshrl.u32 s29, $0x2  }
0xb6: {  	s1 =	sand.u32 $0x1, s29;
	s2 =	sand.u32 $0x4000, s30;
	s0 =	sadd.s32 s31, s28  }
0xb7: {  	s1 =	sor.u32 s2, s1;
	s0 =	sshll.u32 s0, $0x11  }
0xb8: {  	s0 =	sor.u32 s0, s1  }
0xb9: {  	s0 =	sadd.s32 $0x8F2B, s0  }
0xba: {  	[sflag:s0] =	ssyncadd.remote.s32 $0x1  }
0xbb: {  	_ =	sfence.sel $0xFFFF  }
0xbc: {  	[dreg:$0x0] =	wrdreg $0xFFFFFFFF;
	(pc) =	sbr.abs _section_cstart, $3  }
0xbd: {  	[dreg:$0x1] =	wrdreg $0xFFFFFFFF  }
0xbe: {  	_ =	task.clear_ibuf [dreg:s4], $0x2FFFF;
	_ =	strace $0x9FFFFFFF  }
0xbf: {  	(tm) =	ssettm $0x7FFFFFFF  }
tec
execute0_lowered:
.L_overlay_start_1:
0x0: {  	(tag) =	ssettag $0x1  }
0x1: {  	s0 =	stileid.u32  }
0x2: {  	s1 =	smin.u32 s0, $0x9  }
0x3: {  	s1 =	sadd.s32 s0, s1  }
0x4: {  	s2 =	simm.s32 $0x190;
	p0 =	slt.u32 s0, $0x9;
	s1 =	smul.u32 $0xC8, s1  }
0x5: {  	s2 =	simm.s32 @!p0 $0xC8  }
0x6: {  	s2 =	sadd.s32 s2, s1  }
0x7: {  	s3 =	smin.u32 s2, $0x1388  }
0x8: {  	s7 =	ssub.s32 s3, s1  }
0x9: {  	p0 =	sgt.s32 s7, $0x0  }
0xa: {  	s7 =	simm.s32 @!p0 $0x0  }
0xb: {  	s31 =	sand.u32 $0xFFF8, s7  }
0xc: {  	s2 =	sshrl.u32 s31, $0x3  }
0xd: {  	s2 =	smul.u32 $0x147B, s2  }
0xe: {  	s9 =	rddreg [dreg:$0x0];
	s6 =	simm.s32 $0x1;
	s11 =	simm.s32 $0x3  }
0xf: {  	s13 =	simm.s32 $0x0;
	s12 =	simm.s32 $0x0;
	s8 =	sshrl.u32 s2, $0x11  }
0x10: {  	s4 =	sadd.s32 $0xC00, s9;
	s5 =	sadd.s32 $0x400, s9;
	s10 =	smul.u32 $0xC8, s8  }
.Ltmp0:
0x11: {  	s9 =	sadd.s32 $0x14600, s9;
	s2 =	rddreg [dreg:$0x1];
	(pc) =	sbr.rel .LBB2_1-.Ltmp0, $4  }
0x12: {  	_ =	strace $0x8000004A;
	p0 =	sne.s32 s7, s10;
	s10 =	simm.s32 $0x1  }
0x13: {  	[sflag:s6] =	ssyncpa.u1 $0x0;
	s7 =	simm.s32 $0x2;
	s10 =	simm.s32 @!p0 $0x0  }
0x14: {  	[sflag:s7] =	ssyncpa.u1 $0x0;
	p0 =	por $0x0, $0x0;
	s8 =	sadd.s32 s8, s10  }
0x15: {  	vm0 =	vmmov $0xff;
	vm1 =	vcmask $0x3F20;
	[sflag:s11] =	ssyncpa.u1 $0x0;
	s11 =	smov.u32 s1;
	s10 =	sadd.s32 $0x1, s8  }
.LBB2_6:
0x16: {  	[hbm:s17] =	stream.linear.scatter [tilespmem:s14], [sflag:$0x3], $0x400, $0x38;
	[tilespmem:$0xC990] =	vst v63  }
.LBB2_7:
0x17: {  	s13 =	sadd.s32 $0xC8, s11  }
0x18: {  	s15 =	smov.u32 s1;
	p2 =	slt.s32 s13, s3  }
0x19: {  	s15 =	smov.u32 @p2 s13;
	p2 =	sne.s32 s12, s10  }
.Ltmp1:
0x1a: {  	p1 =	slt.u32 s12, $0x2;
	(pc) =	sbr.rel @!p2 .LBB2_8-.Ltmp1, $4  }
0x1b: {  	s14 =	simm.s32 @!p1 $0x3  }
0x1c: {  	s16 =	sadd.s32 $0x1, s12;
	_ =	swait.ge @!p1 [sflag:s14], $0x6400  }
0x1d: {  	p0 =	por !p0, !p0;
	s13 =	smov.u32 s11;
	[sflag:s14] =	ssyncset.done @!p1 $0x0  }
0x1e: {  	s12 =	smov.u32 s16;
	s11 =	smov.u32 s15;
	[sflag:s14] =	ssyncadd.s32 @!p1 $0xFFFF9C00  }
.LBB2_1:
0x1f: {  	p1 =	sge.u32 s12, s8  }
0x20: {  	s14 =	sxor.u32 @!p1 $0xFFFFFFFF, s12  }
0x21: {  	s14 =	sand.u32 @!p1 $0x1, s14  }
0x22: {  	s14 =	smul.u32 @!p1 $0x320, s14  }
0x23: {  	s31 =	sadd.s32 $0xFFFFFFFF, s12;
	s15 =	sshrl.u32 @!p1 s11, $0x3  }
0x24: {  	s16 =	sand.u32 @!p1 $0x7, s11;
	s15 =	sadd.s32 @!p1 s5, s15;
	s14 =	sshrl.u32 @!p1 s14, $0x2  }
0x25: {  	[tilespmem:s14], [sflag:$0x2] =	stream.linear.gather @!p1 [hbm4b:s15+s16], $0xC8, $0x38;
	[tilespmem:$0xC990] =	vst v63  }
0x26: {  	p1 =	sge.u32 s31, s8  }
.Ltmp2:
0x27: {  	_ = 	snop;
	(pc) =	sbr.rel @p1 .LBB2_7-.Ltmp2, $1  }
0x28: {  	_ =	sdelay $0x3  }
0x29: {  	s14 =	simm.s32 $0x1  }
0x2a: {  	s14 =	simm.s32 @!p0 $0x0  }
0x2b: {  	s15 =	smul.u32 $0x320, s14  }
0x2c: {  	_ =	swait.ge [sflag:s7], $0xC8  }
0x2d: {  	[sflag:s7] =	ssyncset.done $0x0;
	s16 =	sshrl.u32 s15, $0x2  }
0x2e: {  	[sflag:s7] =	ssyncadd.s32 $0xFFFFFF38;
	s15 =	sadd.s32 $0x0, s16  }
0x2f: {  	v0 =	vld.msk [tilespmem:s15+$0x0 ss:$0x1], $0xffff;
	_ =	sdelay $0x4  }
0x30: {  	vm2 =	vgt.s32 v0, $0x0  }
0x31: {  	v0 =	vnsel vm2, $0x0, v0  }
0x32: {  	v0 =	vmin.u32 v0, $0x1387  }
0x33: {  	v0 =	vshll.u32 v0, $0x4  }
0x34: {  	s14 =	smul.u32 $0x19000, s14  }
0x35: {  	s31 =	sand.u32 $0x1, s12  }
0x36: {  	s17 =	smul.u32 $0x320, s31;
	s14 =	sshrl.u32 s14, $0x2  }
0x37: {  	s19 =	smul.u32 $0x19000, s31;
	s14 =	sor.u32 $0x190, s14  }
0x38: {  	[tilespmem:s14], [sflag:$0x1] =	stream.indirect_vreg.gather [hbm:s4], $0x80, v0, vm0, $0x38;
	[tilespmem:$0xC990] =	vst v63  }
0x39: {  	s18 =	sshrl.u32 s17, $0x2;
	s20 =	sadd.s32 $0x10, s16;
	s15 =	sadd.s32 $0x400, s14  }
0x3a: {  	[tilespmem:s15], [sflag:$0x1] =	stream.indirect_vreg.gather [hbm:s4], $0x80, v0, vm1, $0x38;
	[tilespmem:$0xC990] =	vst v63  }
0x3b: {  	s17 =	sshrl.u32 s19, $0x2;
	s19 =	smov.u32 s14;
	v0 =	vld.msk [tilespmem:s20+$0x0 ss:$0x1], $0xffff;
	s20 =	simm.s32 $0x80  }
.LBB2_3:
0x3c: {  	p1 =	sne.s32 s20, $0x2C0;
	_ =	sdelay $0x4  }
0x3d: {  	vm2 =	vgt.s32 v0, $0x0  }
0x3e: {  	v0 =	vnsel vm2, $0x0, v0  }
0x3f: {  	v0 =	vmin.u32 v0, $0x1387  }
0x40: {  	v0 =	vshll.u32 v0, $0x4;
	_ =	sdelay $0x3  }
.Ltmp3:
0x41: {  	s21 =	sshra.s32 s20, $0x2;
	s19 =	sadd.s32 $0x800, s19;
	(pc) =	sbr.rel @p1 .LBB2_3-.Ltmp3, $4  }
0x42: {  	[tilespmem:s19], [sflag:$0x1] =	stream.indirect_vreg.gather [hbm:s4], $0x80, v0, vm0, $0x38;
	[tilespmem:$0xC990] =	vst v63  }
0x43: {  	s21 =	sadd.s32 s21, s16;
	s22 =	sadd.s32 $0x400, s19  }
0x44: {  	[tilespmem:s22], [sflag:$0x1] =	stream.indirect_vreg.gather [hbm:s4], $0x80, v0, vm1, $0x38;
	[tilespmem:$0xC990] =	vst v63  }
0x45: {  	s20 =	sadd.s32 $0x40, s20;
	v0 =	vld.msk [tilespmem:s21+$0x0 ss:$0x1], $0xffff  }
0x46: {  	_ =	sdelay $0x3  }
0x47: {  	vm2 =	vgt.s32 v0, $0x0  }
0x48: {  	v0 =	vnsel vm2, $0x0, v0  }
0x49: {  	v0 =	vmin.u32 v0, $0x1387  }
0x4a: {  	v0 =	vshll.u32 v0, $0x4;
	_ =	sdelay $0x3  }
0x4b: {  	s16 =	sadd.s32 $0x800, s19  }
0x4c: {  	[tilespmem:s16], [sflag:$0x1] =	stream.indirect_vreg.gather [hbm:s4], $0x80, v0, vm0, $0x38;
	[tilespmem:$0xC990] =	vst v63  }
0x4d: {  	s16 =	sadd.s32 $0x400, s16  }
0x4e: {  	[tilespmem:s16], [sflag:$0x1] =	stream.indirect_vreg.gather [hbm:s4], $0x80, v0, vm1, $0x38;
	[tilespmem:$0xC990] =	vst v63  }
0x4f: {  	v0 =	vld.msk [tilespmem:s18+$0xC0 ss:$0x1], $0xff;
	_ =	sdelay $0x4  }
0x50: {  	vm2 =	vgt.s32 v0, $0x0  }
0x51: {  	v0 =	vnsel vm2, $0x0, v0  }
0x52: {  	v0 =	vmin.u32 v0, $0x1387  }
0x53: {  	v0 =	vshll.u32 v0, $0x4;
	_ =	sdelay $0x3  }
0x54: {  	s31 =	sadd.s32 $0x6190, s17  }
0x55: {  	[tilespmem:s31], [sflag:$0x1] =	stream.indirect_vreg.gather [hbm:s4], $0x80, v0, vm0, $0x38;
	[tilespmem:$0xC990] =	vst v63  }
0x56: {  	s13 =	sshll.u32 s13, $0x4;
	_ =	swait.ge [sflag:s6], $0x6400  }
0x57: {  	s13 =	sadd.s32 s13, s9;
	[sflag:s6] =	ssyncset.done $0x0  }
0x58: {  	s17 =	sadd.s32 $0x0, s13;
	s16 =	simm.s32 $0x80;
	[sflag:s6] =	ssyncadd.s32 $0xFFFF9C00  }
.LBB2_5:
0x59: {  	[hbm:s17] =	stream.linear.scatter [tilespmem:s14], [sflag:$0x3], $0x400, $0x38;
	[tilespmem:$0xC990] =	vst v63  }
0x5a: {  	s17 =	smov.u32 s16;
	s14 =	smov.u32 s15;
	p1 =	sne.s32 s16, $0xC00  }
.Ltmp4:
0x5b: {  	s16 =	sadd.s32 $0x80, s16;
	(pc) =	sbr.rel @p1 .LBB2_5-.Ltmp4, $2  }
0x5c: {  	_ =	sdelay $0x2  }
0x5d: {  	s15 =	sadd.s32 $0x400, s15;
	s17 =	sadd.s32 s17, s13  }
.Ltmp5:
0x5e: {  	_ = 	snop;
	(pc) =	sbr.rel .LBB2_6-.Ltmp5, $1  }
0x5f: {  	_ =	sdelay $0x3  }
.LBB2_8:
0x60: {  	_ =	sfence.sel $0x180000  }
0x61: {  	s1 =	simm.s32 $0x2;
	[bflag:$0x0] =	sbarrier.arrive $0xFFFF  }
0x62: {  	s30 =	simm.s32 $0x3;
	[sflag:s1] =	ssyncpa.u1 $0x1  }
0x63: {  	s31 =	simm.s32 $0x1;
	[sflag:s30] =	ssyncpa.u1 $0x1  }
0x64: {  	[sflag:s31] =	ssyncpa.u1 $0x1  }
0x65: {  	p0 =	sne.s32 s0, $0x0;
	_ =	strace $0x9000004A  }
0x66: {  	s0 =	sadd.s32 @!p0 $0x100000, s2;
	[bflag:$0x2] =	sbarrier.arrive $0xFFFF  }
0x67: {  	[sflag:s0] =	ssyncadd.tile.s32 @!p0 $0x1;
	_ =	shalt  }
.Lfunc_end2:
_tile_overlayer_lowered:
.L_overlay_start_2:
0x68: {  	(tag) =	ssettag $0x2  }
0x69: {  	s0 =	rddreg [dreg:$0x0];
	s2 =	stileid.u32  }
0x6a: {  	s1 =	rddreg [dreg:$0x1];
	p0 =	sne.s32 s2, $0x0  }
0x6b: {  	s3 =	rddreg [dreg:$0x2];
	[bflag:$0x3] =	sbarrier.arrive $0xFFFF;
	s2 =	simm.s32 @!p0 $0x1C01  }
0x6c: {  	[timem:s3], [sflag:s2] =	dma.local @!p0 [hbm:s0], s1  }
0x6d: {  	s0 =	simm.s32 @!p0 $0x1  }
0x6e: {  	_ =	swait.ge @!p0 [sflag:s0], s1  }
0x6f: {  	s1 =	ssub.s32 @!p0 $0x0, s1;
	[sflag:s0] =	ssyncset.done @!p0 $0x0  }
0x70: {  	[sflag:s0] =	ssyncadd.s32 @!p0 s1  }
0x71: {  	[bflag:$0x3] =	sbarrier.arrive $0xFFFF  }
0x72: {  	_ =	shalt  }

</sc_bundles>
